<compile_context>
chip_gen: v7x
topology: tpu7x:2x2x1
jax: 0.10.2.dev20260603
libtpu: 0.0.44.dev20260713+nightly
codegen_flags: <defaults>
</compile_context>

<pallas_src>
import functools

import jax
import jax.numpy as jnp
from jax import lax
from jax.experimental import pallas as pl
from jax.experimental.pallas import tpu as pltpu
from jax.experimental.pallas import tpu_sc as plsc

_LANES = 16


@functools.lru_cache(maxsize=None)
def _make_full_sc(B, L, N):
    info = plsc.get_sparse_core_info()
    NC, NS = info.num_cores, info.num_subcores
    NW = NC * NS
    assert (B * L) % NW == 0
    slabs_per_tile = (B * L) // NW
    assert L % slabs_per_tile == 0 and slabs_per_tile % 2 == 0
    KN = N // _LANES

    mesh = plsc.VectorSubcoreMesh(core_axis_name="c", subcore_axis_name="s")

    @functools.partial(
        pl.kernel,
        out_type=jax.ShapeDtypeStruct((B, L, L, 3 * N), jnp.float32),
        mesh=mesh,
        scratch_types=[
            pltpu.VMEM((L, N), jnp.float32),
            pltpu.VMEM((L, 3 * N), jnp.float32),
            pltpu.VMEM((L, 3 * N), jnp.float32),
            pltpu.SemaphoreType.DMA,
            pltpu.SemaphoreType.DMA,
        ],
    )
    def run(inc_hbm, out_hbm, table_v, slab0, slab1, sem0, sem1):
        wid = lax.axis_index("s") * NC + lax.axis_index("c")
        tpb = L // slabs_per_tile
        b = wid // tpb
        r0 = (wid % tpb) * slabs_per_tile

        pltpu.sync_copy(inc_hbm.at[b], table_v)

        slabs = (slab0, slab1)
        sems = (sem0, sem1)

        def init_body(c, carry):
            for k in range(KN):
                v = table_v[c, pl.ds(k * _LANES, _LANES)]
                slab0[c, pl.ds(k * _LANES, _LANES)] = v
                slab1[c, pl.ds(k * _LANES, _LANES)] = v
            return carry

        lax.fori_loop(0, L, init_body, 0)

        def build(slab, r):
            row = [table_v[r, pl.ds(k * _LANES, _LANES)] for k in range(KN)]

            def c_body(c, carry):
                m = lax.shift_right_logical(r + c, 1)
                for k in range(KN):
                    slab[c, pl.ds(N + k * _LANES, _LANES)] = row[k]
                    slab[c, pl.ds(2 * N + k * _LANES, _LANES)] = (
                        table_v[m, pl.ds(k * _LANES, _LANES)]
                    )
                return carry

            lax.fori_loop(0, L, c_body, 0)

        def outer(g, carry):
            for buf in range(2):
                r = r0 + g * 2 + buf

                @pl.when(g > 0)
                def _wait():
                    pltpu.make_async_copy(
                        slabs[buf], out_hbm.at[b, r0], sems[buf]
                    ).wait()

                build(slabs[buf], r)
                pltpu.async_copy(slabs[buf], out_hbm.at[b, r], sems[buf])
            return carry

        lax.fori_loop(0, slabs_per_tile // 2, outer, 0)

        for buf in range(2):
            pltpu.make_async_copy(
                slabs[buf], out_hbm.at[b, r0], sems[buf]
            ).wait()

    return run


def kernel(incoming):
    B, L, N = incoming.shape
    out = _make_full_sc(B, L, N)(incoming)
    tail = lax.dynamic_slice(out, (B - 1, L - 1, 0, 0), (1, 1, L, 3 * N))
    return lax.dynamic_update_slice(out, tail, (B - 1, L - 1, 0, 0))

# --- scband reference (transcript-rebuilt; emitter-appended) ---
"""Pipeline reference for scband-outer-product-47270410060430 (READ-ONLY COPY).

The authoritative reference and input builder live on the scoring server;
editing this copy changes nothing except your own understanding.
"""

import jax, jax.numpy as jnp
import numpy as np


def setup_inputs(seed: int = 0) -> dict:
    key = jax.random.key(seed)
    incoming = jax.random.normal(key, (16, 128, 64), dtype=jnp.float32)
    return {"incoming": incoming}


def reference(incoming):
    # incoming: (B, L, N) -> output: (B, L, L, 3N)
    B, L, N = incoming.shape
    v = jnp.arange(0, L, 1)
    i, j = jnp.meshgrid(v, v)  # default 'xy' indexing, matches tf.meshgrid
    m = ((i + j) / 2).astype(jnp.int32)
    incoming2 = jnp.transpose(incoming, (1, 0, 2))  # (L, B, N)
    out1 = jnp.take(incoming2, i, axis=0)  # (L, L, B, N)
    out2 = jnp.take(incoming2, j, axis=0)  # (L, L, B, N)
    out3 = jnp.take(incoming2, m, axis=0)  # (L, L, B, N)
    out = jnp.concatenate([out1, out2, out3], axis=3)  # (L, L, B, 3N)
    output = jnp.transpose(out, (2, 0, 1, 3))  # (B, L, L, 3N)
    return output

if __name__ == "__main__":
    import jax
    _d = setup_inputs()
    print(jax.jit(kernel)(*tuple(_d.values())))

</pallas_src>

<mosaic_0001>
#map = affine_map<(d0, d1) -> (0, 0, 0)>
#map1 = affine_map<(d0, d1) -> (0, 0, 0, 0)>
module attributes {stable_mosaic.version = 14 : i64} {
  func.func @run(%arg0: i32, %arg1: i32, %arg2: memref<16x128x64xf32, #tpu.memory_space<hbm>>, %arg3: memref<16x128x128x192xf32, #tpu.memory_space<hbm>>, %arg4: memref<128x64xf32, #tpu.memory_space<vmem>>, %arg5: memref<128x192xf32, #tpu.memory_space<vmem>>, %arg6: memref<128x192xf32, #tpu.memory_space<vmem>>, %arg7: memref<!tpu.dma_semaphore, #tpu.memory_space<semaphore_mem>>, %arg8: memref<!tpu.dma_semaphore, #tpu.memory_space<semaphore_mem>>) attributes {dimension_semantics = [#tpu.dimension_semantics<core_parallel>, #tpu.dimension_semantics<subcore_parallel>], iteration_bounds = array<i64: 2, 16>, scalar_prefetch = 0 : i64, scratch_operands = 5 : i64, tpu.core_type = #tpu.core_type<sc_vector_subcore>, window_params = [{transform_indices = #map}, {transform_indices = #map1}]} {
    %mul3A = arith.constant 2 : i32
    %mul3A_0 = arith.muli %arg1, %mul3A : i32
    %add3A = arith.addi %mul3A_0, %arg0 : i32
    %jit3A = arith.constant 2 : i32
    %div3A = arith.divsi %add3A, %jit3A : i32
    %sign3A = arith.constant 0 : i32
    %sign3A_1 = arith.cmpi sgt, %add3A, %sign3A : i32
    %sign3A_2 = arith.extui %sign3A_1 : i1 to i32
    %sign3A_3 = arith.constant 0 : i32
    %sign3A_4 = arith.cmpi slt, %add3A, %sign3A_3 : i32
    %sign3A_5 = arith.extui %sign3A_4 : i1 to i32
    %sign3A_6 = arith.subi %sign3A_2, %sign3A_5 : i32
    %sign3A_7 = arith.constant 0 : i32
    %sign3A_8 = arith.cmpi sgt, %jit3A, %sign3A_7 : i32
    %sign3A_9 = arith.extui %sign3A_8 : i1 to i32
    %sign3A_10 = arith.constant 0 : i32
    %sign3A_11 = arith.cmpi slt, %jit3A, %sign3A_10 : i32
    %sign3A_12 = arith.extui %sign3A_11 : i1 to i32
    %sign3A_13 = arith.subi %sign3A_9, %sign3A_12 : i32
    %ne3A = arith.cmpi ne, %sign3A_6, %sign3A_13 : i32
    %rem3A = arith.remsi %add3A, %jit3A : i32
    %ne3A_14 = arith.constant 0 : i32
    %ne3A_15 = arith.cmpi ne, %rem3A, %ne3A_14 : i32
    %and3A = arith.andi %ne3A, %ne3A_15 : i1
    %sub3A = arith.constant 1 : i32
    %sub3A_16 = arith.subi %div3A, %sub3A : i32
    %select_n3A = arith.select %and3A, %sub3A_16, %div3A : i32
    %jit3A_17 = arith.constant 2 : i32
    %eq3A = arith.constant 0 : i32
    %eq3A_18 = arith.cmpi eq, %jit3A_17, %eq3A : i32
    %jit3A_19 = arith.constant 1 : i32
    %select_n3A_20 = arith.select %eq3A_18, %jit3A_19, %jit3A_17 : i32
    %rem3A_21 = arith.remsi %add3A, %select_n3A_20 : i32
    %ne3A_22 = arith.constant 0 : i32
    %ne3A_23 = arith.cmpi ne, %rem3A_21, %ne3A_22 : i32
    %lt3A = arith.constant 0 : i32
    %lt3A_24 = arith.cmpi slt, %rem3A_21, %lt3A : i32
    %lt3A_25 = arith.constant 0 : i32
    %lt3A_26 = arith.cmpi slt, %select_n3A_20, %lt3A_25 : i32
    %ne3A_27 = arith.xori %lt3A_24, %lt3A_26 : i1
    %and3A_28 = arith.andi %ne3A_27, %ne3A_23 : i1
    %add3A_29 = arith.addi %rem3A_21, %select_n3A_20 : i32
    %select_n3A_30 = arith.select %and3A_28, %add3A_29, %rem3A_21 : i32
    %mul3A_31 = arith.constant 64 : i32
    %mul3A_32 = arith.muli %select_n3A_30, %mul3A_31 : i32
    "tpu.region"() ({
      %run_scoped3A = tpu.sem_alloc : memref<!tpu.dma_semaphore, #tpu.memory_space<semaphore_mem>>
      %dma_start3A = arith.constant 0 : i32
      %dma_start3A_59 = arith.constant 0 : i32
      %dma_start3A_60 = tpu.memref_slice %arg2[%select_n3A, %dma_start3A, %dma_start3A_59] : memref<16x128x64xf32, #tpu.memory_space<hbm>> -> memref<1x128x64xf32, #tpu.memory_space<hbm>>
      %dma_start3A_61 = tpu.memref_squeeze %dma_start3A_60 : memref<1x128x64xf32, #tpu.memory_space<hbm>> -> memref<128x64xf32, #tpu.memory_space<hbm>>
      %dma_start3A_62 = arith.constant 0 : i32
      %dma_start3A_63 = arith.constant 0 : i32
      %dma_start3A_64 = tpu.memref_slice %arg2[%select_n3A, %dma_start3A_62, %dma_start3A_63] : memref<16x128x64xf32, #tpu.memory_space<hbm>> -> memref<1x128x64xf32, #tpu.memory_space<hbm>>
      %dma_start3A_65 = tpu.memref_squeeze %dma_start3A_64 : memref<1x128x64xf32, #tpu.memory_space<hbm>> -> memref<128x64xf32, #tpu.memory_space<hbm>>
      tpu.enqueue_dma source(%dma_start3A_65 : memref<128x64xf32, #tpu.memory_space<hbm>>) target(%arg4 : memref<128x64xf32, #tpu.memory_space<vmem>>) target_semaphore(%run_scoped3A : memref<!tpu.dma_semaphore, #tpu.memory_space<semaphore_mem>>)
      %dma_wait3A_66 = arith.constant 0 : i32
      %dma_wait3A_67 = arith.constant 0 : i32
      %dma_wait3A_68 = tpu.memref_slice %arg2[%select_n3A, %dma_wait3A_66, %dma_wait3A_67] : memref<16x128x64xf32, #tpu.memory_space<hbm>> -> memref<1x128x64xf32, #tpu.memory_space<hbm>>
      %dma_wait3A_69 = tpu.memref_squeeze %dma_wait3A_68 : memref<1x128x64xf32, #tpu.memory_space<hbm>> -> memref<128x64xf32, #tpu.memory_space<hbm>>
      %dma_wait3A_70 = arith.constant 0 : i32
      %dma_wait3A_71 = arith.constant 0 : i32
      %dma_wait3A_72 = tpu.memref_slice %arg2[%select_n3A, %dma_wait3A_70, %dma_wait3A_71] : memref<16x128x64xf32, #tpu.memory_space<hbm>> -> memref<1x128x64xf32, #tpu.memory_space<hbm>>
      %dma_wait3A_73 = tpu.memref_squeeze %dma_wait3A_72 : memref<1x128x64xf32, #tpu.memory_space<hbm>> -> memref<128x64xf32, #tpu.memory_space<hbm>>
      tpu.wait_dma2 semaphore(%run_scoped3A : memref<!tpu.dma_semaphore, #tpu.memory_space<semaphore_mem>>) src(%dma_wait3A_73 : memref<128x64xf32, #tpu.memory_space<hbm>>) dst(%arg4 : memref<128x64xf32, #tpu.memory_space<vmem>>)
      tpu.yield
    }) : () -> ()
    %scan3A = arith.constant 0 : i32
    %scan3A_33 = arith.constant 0 : i32
    %scan3A_34 = arith.constant 128 : i32
    %scan3A_35 = arith.addi %scan3A_33, %scan3A_34 : i32
    %scan3A_36 = arith.constant 1 : i32
    scf.for %scan3A_59 = %scan3A_33 to %scan3A_35 step %scan3A_36  : i32 {
      %get3A = arith.index_cast %scan3A_59 : i32 to index
      %get3A_60 = arith.constant 0 : index
      %get3A_61 = tpu.vector_load %arg4[%get3A, %get3A_60] {strides = array<i32>} : memref<128x64xf32, #tpu.memory_space<vmem>>, vector<1x16xf32>,
      %get3A_62 = vector.shape_cast %get3A_61 : vector<1x16xf32> to vector<16xf32>
      %swap3A = arith.index_cast %scan3A_59 : i32 to index
      %swap3A_63 = arith.constant 0 : index
      %swap3A_64 = tpu.vector_load %arg5[%swap3A, %swap3A_63] {strides = array<i32>} : memref<128x192xf32, #tpu.memory_space<vmem>>, vector<1x16xf32>,
      %swap3A_65 = vector.shape_cast %swap3A_64 : vector<1x16xf32> to vector<16xf32>
      %swap3A_66 = vector.shape_cast %get3A_62 : vector<16xf32> to vector<1x16xf32>
      tpu.vector_store %arg5[%swap3A, %swap3A_63], %swap3A_66 {strides = array<i32>} : memref<128x192xf32, #tpu.memory_space<vmem>>, vector<1x16xf32>,
      %swap3A_67 = arith.index_cast %scan3A_59 : i32 to index
      %swap3A_68 = arith.constant 0 : index
      %swap3A_69 = tpu.vector_load %arg6[%swap3A_67, %swap3A_68] {strides = array<i32>} : memref<128x192xf32, #tpu.memory_space<vmem>>, vector<1x16xf32>,
      %swap3A_70 = vector.shape_cast %swap3A_69 : vector<1x16xf32> to vector<16xf32>
      %swap3A_71 = vector.shape_cast %get3A_62 : vector<16xf32> to vector<1x16xf32>
      tpu.vector_store %arg6[%swap3A_67, %swap3A_68], %swap3A_71 {strides = array<i32>} : memref<128x192xf32, #tpu.memory_space<vmem>>, vector<1x16xf32>,
      %get3A_72 = arith.index_cast %scan3A_59 : i32 to index
      %get3A_73 = arith.constant 16 : index
      %get3A_74 = tpu.vector_load %arg4[%get3A_72, %get3A_73] {strides = array<i32>} : memref<128x64xf32, #tpu.memory_space<vmem>>, vector<1x16xf32>,
      %get3A_75 = vector.shape_cast %get3A_74 : vector<1x16xf32> to vector<16xf32>
      %swap3A_76 = arith.index_cast %scan3A_59 : i32 to index
      %swap3A_77 = arith.constant 16 : index
      %swap3A_78 = tpu.vector_load %arg5[%swap3A_76, %swap3A_77] {strides = array<i32>} : memref<128x192xf32, #tpu.memory_space<vmem>>, vector<1x16xf32>,
      %swap3A_79 = vector.shape_cast %swap3A_78 : vector<1x16xf32> to vector<16xf32>
      %swap3A_80 = vector.shape_cast %get3A_75 : vector<16xf32> to vector<1x16xf32>
      tpu.vector_store %arg5[%swap3A_76, %swap3A_77], %swap3A_80 {strides = array<i32>} : memref<128x192xf32, #tpu.memory_space<vmem>>, vector<1x16xf32>,
      %swap3A_81 = arith.index_cast %scan3A_59 : i32 to index
      %swap3A_82 = arith.constant 16 : index
      %swap3A_83 = tpu.vector_load %arg6[%swap3A_81, %swap3A_82] {strides = array<i32>} : memref<128x192xf32, #tpu.memory_space<vmem>>, vector<1x16xf32>,
      %swap3A_84 = vector.shape_cast %swap3A_83 : vector<1x16xf32> to vector<16xf32>
      %swap3A_85 = vector.shape_cast %get3A_75 : vector<16xf32> to vector<1x16xf32>
      tpu.vector_store %arg6[%swap3A_81, %swap3A_82], %swap3A_85 {strides = array<i32>} : memref<128x192xf32, #tpu.memory_space<vmem>>, vector<1x16xf32>,
      %get3A_86 = arith.index_cast %scan3A_59 : i32 to index
      %get3A_87 = arith.constant 32 : index
      %get3A_88 = tpu.vector_load %arg4[%get3A_86, %get3A_87] {strides = array<i32>} : memref<128x64xf32, #tpu.memory_space<vmem>>, vector<1x16xf32>,
      %get3A_89 = vector.shape_cast %get3A_88 : vector<1x16xf32> to vector<16xf32>
      %swap3A_90 = arith.index_cast %scan3A_59 : i32 to index
      %swap3A_91 = arith.constant 32 : index
      %swap3A_92 = tpu.vector_load %arg5[%swap3A_90, %swap3A_91] {strides = array<i32>} : memref<128x192xf32, #tpu.memory_space<vmem>>, vector<1x16xf32>,
      %swap3A_93 = vector.shape_cast %swap3A_92 : vector<1x16xf32> to vector<16xf32>
      %swap3A_94 = vector.shape_cast %get3A_89 : vector<16xf32> to vector<1x16xf32>
      tpu.vector_store %arg5[%swap3A_90, %swap3A_91], %swap3A_94 {strides = array<i32>} : memref<128x192xf32, #tpu.memory_space<vmem>>, vector<1x16xf32>,
      %swap3A_95 = arith.index_cast %scan3A_59 : i32 to index
      %swap3A_96 = arith.constant 32 : index
      %swap3A_97 = tpu.vector_load %arg6[%swap3A_95, %swap3A_96] {strides = array<i32>} : memref<128x192xf32, #tpu.memory_space<vmem>>, vector<1x16xf32>,
      %swap3A_98 = vector.shape_cast %swap3A_97 : vector<1x16xf32> to vector<16xf32>
      %swap3A_99 = vector.shape_cast %get3A_89 : vector<16xf32> to vector<1x16xf32>
      tpu.vector_store %arg6[%swap3A_95, %swap3A_96], %swap3A_99 {strides = array<i32>} : memref<128x192xf32, #tpu.memory_space<vmem>>, vector<1x16xf32>,
      %get3A_100 = arith.index_cast %scan3A_59 : i32 to index
      %get3A_101 = arith.constant 48 : index
      %get3A_102 = tpu.vector_load %arg4[%get3A_100, %get3A_101] {strides = array<i32>} : memref<128x64xf32, #tpu.memory_space<vmem>>, vector<1x16xf32>,
      %get3A_103 = vector.shape_cast %get3A_102 : vector<1x16xf32> to vector<16xf32>
      %swap3A_104 = arith.index_cast %scan3A_59 : i32 to index
      %swap3A_105 = arith.constant 48 : index
      %swap3A_106 = tpu.vector_load %arg5[%swap3A_104, %swap3A_105] {strides = array<i32>} : memref<128x192xf32, #tpu.memory_space<vmem>>, vector<1x16xf32>,
      %swap3A_107 = vector.shape_cast %swap3A_106 : vector<1x16xf32> to vector<16xf32>
      %swap3A_108 = vector.shape_cast %get3A_103 : vector<16xf32> to vector<1x16xf32>
      tpu.vector_store %arg5[%swap3A_104, %swap3A_105], %swap3A_108 {strides = array<i32>} : memref<128x192xf32, #tpu.memory_space<vmem>>, vector<1x16xf32>,
      %swap3A_109 = arith.index_cast %scan3A_59 : i32 to index
      %swap3A_110 = arith.constant 48 : index
      %swap3A_111 = tpu.vector_load %arg6[%swap3A_109, %swap3A_110] {strides = array<i32>} : memref<128x192xf32, #tpu.memory_space<vmem>>, vector<1x16xf32>,
      %swap3A_112 = vector.shape_cast %swap3A_111 : vector<1x16xf32> to vector<16xf32>
      %swap3A_113 = vector.shape_cast %get3A_103 : vector<16xf32> to vector<1x16xf32>
      tpu.vector_store %arg6[%swap3A_109, %swap3A_110], %swap3A_113 {strides = array<i32>} : memref<128x192xf32, #tpu.memory_space<vmem>>, vector<1x16xf32>,
    }
    %scan3A_37 = arith.constant 128 : i32
    %scan3A_38 = arith.constant 0 : i32
    %scan3A_39 = arith.constant 0 : i32
    %scan3A_40 = arith.constant 32 : i32
    %scan3A_41 = arith.addi %scan3A_39, %scan3A_40 : i32
    %scan3A_42 = arith.constant 1 : i32
    scf.for %scan3A_59 = %scan3A_39 to %scan3A_41 step %scan3A_42  : i32 {
      %mul3A_60 = arith.constant 2 : i32
      %mul3A_61 = arith.muli %scan3A_59, %mul3A_60 : i32
      %add3A_62 = arith.addi %mul3A_32, %mul3A_61 : i32
      %add3A_63 = arith.constant 0 : i32
      %add3A_64 = arith.addi %add3A_62, %add3A_63 : i32
      %gt3A = arith.constant 0 : i32
      %gt3A_65 = arith.cmpi sgt, %scan3A_59, %gt3A : i32
      %convert_element_type3A = arith.extui %gt3A_65 : i1 to i32
      %cond3A = arith.constant 0 : i32
      %cond3A_66 = arith.cmpi ne, %convert_element_type3A, %cond3A : i32
      scf.if %cond3A_66 {
        %dma_wait3A_135 = arith.constant 0 : i32
        %dma_wait3A_136 = arith.constant 0 : i32
        %dma_wait3A_137 = tpu.memref_slice %arg3[%select_n3A, %mul3A_32, %dma_wait3A_135, %dma_wait3A_136] : memref<16x128x128x192xf32, #tpu.memory_space<hbm>> -> memref<1x1x128x192xf32, #tpu.memory_space<hbm>>
        %dma_wait3A_138 = tpu.memref_squeeze %dma_wait3A_137 : memref<1x1x128x192xf32, #tpu.memory_space<hbm>> -> memref<128x192xf32, #tpu.memory_space<hbm>>
        %dma_wait3A_139 = arith.constant 0 : i32
        %dma_wait3A_140 = arith.constant 0 : i32
        %dma_wait3A_141 = tpu.memref_slice %arg3[%select_n3A, %mul3A_32, %dma_wait3A_139, %dma_wait3A_140] : memref<16x128x128x192xf32, #tpu.memory_space<hbm>> -> memref<1x1x128x192xf32, #tpu.memory_space<hbm>>
        %dma_wait3A_142 = tpu.memref_squeeze %dma_wait3A_141 : memref<1x1x128x192xf32, #tpu.memory_space<hbm>> -> memref<128x192xf32, #tpu.memory_space<hbm>>
        tpu.wait_dma2 semaphore(%arg7 : memref<!tpu.dma_semaphore, #tpu.memory_space<semaphore_mem>>) src(%arg5 : memref<128x192xf32, #tpu.memory_space<vmem>>) dst(%dma_wait3A_142 : memref<128x192xf32, #tpu.memory_space<hbm>>)
      } else {
      }
      %get3A = arith.index_cast %add3A_64 : i32 to index
      %get3A_67 = arith.constant 0 : index
      %get3A_68 = tpu.vector_load %arg4[%get3A, %get3A_67] {strides = array<i32>} : memref<128x64xf32, #tpu.memory_space<vmem>>, vector<1x16xf32>,
      %get3A_69 = vector.shape_cast %get3A_68 : vector<1x16xf32> to vector<16xf32>
      %get3A_70 = arith.index_cast %add3A_64 : i32 to index
      %get3A_71 = arith.constant 16 : index
      %get3A_72 = tpu.vector_load %arg4[%get3A_70, %get3A_71] {strides = array<i32>} : memref<128x64xf32, #tpu.memory_space<vmem>>, vector<1x16xf32>,
      %get3A_73 = vector.shape_cast %get3A_72 : vector<1x16xf32> to vector<16xf32>
      %get3A_74 = arith.index_cast %add3A_64 : i32 to index
      %get3A_75 = arith.constant 32 : index
      %get3A_76 = tpu.vector_load %arg4[%get3A_74, %get3A_75] {strides = array<i32>} : memref<128x64xf32, #tpu.memory_space<vmem>>, vector<1x16xf32>,
      %get3A_77 = vector.shape_cast %get3A_76 : vector<1x16xf32> to vector<16xf32>
      %get3A_78 = arith.index_cast %add3A_64 : i32 to index
      %get3A_79 = arith.constant 48 : index
      %get3A_80 = tpu.vector_load %arg4[%get3A_78, %get3A_79] {strides = array<i32>} : memref<128x64xf32, #tpu.memory_space<vmem>>, vector<1x16xf32>,
      %get3A_81 = vector.shape_cast %get3A_80 : vector<1x16xf32> to vector<16xf32>
      %scan3A_82 = arith.constant 0 : i32
      %scan3A_83 = arith.constant 0 : i32
      %scan3A_84 = arith.constant 128 : i32
      %scan3A_85 = arith.addi %scan3A_83, %scan3A_84 : i32
      %scan3A_86 = arith.constant 1 : i32
      scf.for %scan3A_135 = %scan3A_83 to %scan3A_85 step %scan3A_86  : i32 {
        %add3A_136 = arith.addi %add3A_64, %scan3A_135 : i32
        %shift_right_logical3A = arith.constant 1 : i32
        %shift_right_logical3A_137 = arith.shrui %add3A_136, %shift_right_logical3A : i32
        %swap3A = arith.index_cast %scan3A_135 : i32 to index
        %swap3A_138 = arith.constant 64 : index
        %swap3A_139 = tpu.vector_load %arg5[%swap3A, %swap3A_138] {strides = array<i32>} : memref<128x192xf32, #tpu.memory_space<vmem>>, vector<1x16xf32>,
        %swap3A_140 = vector.shape_cast %swap3A_139 : vector<1x16xf32> to vector<16xf32>
        %swap3A_141 = vector.shape_cast %get3A_69 : vector<16xf32> to vector<1x16xf32>
        tpu.vector_store %arg5[%swap3A, %swap3A_138], %swap3A_141 {strides = array<i32>} : memref<128x192xf32, #tpu.memory_space<vmem>>, vector<1x16xf32>,
        %get3A_142 = arith.index_cast %shift_right_logical3A_137 : i32 to index
        %get3A_143 = arith.constant 0 : index
        %get3A_144 = tpu.vector_load %arg4[%get3A_142, %get3A_143] {strides = array<i32>} : memref<128x64xf32, #tpu.memory_space<vmem>>, vector<1x16xf32>,
        %get3A_145 = vector.shape_cast %get3A_144 : vector<1x16xf32> to vector<16xf32>
        %swap3A_146 = arith.index_cast %scan3A_135 : i32 to index
        %swap3A_147 = arith.constant 128 : index
        %swap3A_148 = tpu.vector_load %arg5[%swap3A_146, %swap3A_147] {strides = array<i32>} : memref<128x192xf32, #tpu.memory_space<vmem>>, vector<1x16xf32>,
        %swap3A_149 = vector.shape_cast %swap3A_148 : vector<1x16xf32> to vector<16xf32>
        %swap3A_150 = vector.shape_cast %get3A_145 : vector<16xf32> to vector<1x16xf32>
        tpu.vector_store %arg5[%swap3A_146, %swap3A_147], %swap3A_150 {strides = array<i32>} : memref<128x192xf32, #tpu.memory_space<vmem>>, vector<1x16xf32>,
        %swap3A_151 = arith.index_cast %scan3A_135 : i32 to index
        %swap3A_152 = arith.constant 80 : index
        %swap3A_153 = tpu.vector_load %arg5[%swap3A_151, %swap3A_152] {strides = array<i32>} : memref<128x192xf32, #tpu.memory_space<vmem>>, vector<1x16xf32>,
        %swap3A_154 = vector.shape_cast %swap3A_153 : vector<1x16xf32> to vector<16xf32>
        %swap3A_155 = vector.shape_cast %get3A_73 : vector<16xf32> to vector<1x16xf32>
        tpu.vector_store %arg5[%swap3A_151, %swap3A_152], %swap3A_155 {strides = array<i32>} : memref<128x192xf32, #tpu.memory_space<vmem>>, vector<1x16xf32>,
        %get3A_156 = arith.index_cast %shift_right_logical3A_137 : i32 to index
        %get3A_157 = arith.constant 16 : index
        %get3A_158 = tpu.vector_load %arg4[%get3A_156, %get3A_157] {strides = array<i32>} : memref<128x64xf32, #tpu.memory_space<vmem>>, vector<1x16xf32>,
        %get3A_159 = vector.shape_cast %get3A_158 : vector<1x16xf32> to vector<16xf32>
        %swap3A_160 = arith.index_cast %scan3A_135 : i32 to index
        %swap3A_161 = arith.constant 144 : index
        %swap3A_162 = tpu.vector_load %arg5[%swap3A_160, %swap3A_161] {strides = array<i32>} : memref<128x192xf32, #tpu.memory_space<vmem>>, vector<1x16xf32>,
        %swap3A_163 = vector.shape_cast %swap3A_162 : vector<1x16xf32> to vector<16xf32>
        %swap3A_164 = vector.shape_cast %get3A_159 : vector<16xf32> to vector<1x16xf32>
        tpu.vector_store %arg5[%swap3A_160, %swap3A_161], %swap3A_164 {strides = array<i32>} : memref<128x192xf32, #tpu.memory_space<vmem>>, vector<1x16xf32>,
        %swap3A_165 = arith.index_cast %scan3A_135 : i32 to index
        %swap3A_166 = arith.constant 96 : index
        %swap3A_167 = tpu.vector_load %arg5[%swap3A_165, %swap3A_166] {strides = array<i32>} : memref<128x192xf32, #tpu.memory_space<vmem>>, vector<1x16xf32>,
        %swap3A_168 = vector.shape_cast %swap3A_167 : vector<1x16xf32> to vector<16xf32>
        %swap3A_169 = vector.shape_cast %get3A_77 : vector<16xf32> to vector<1x16xf32>
        tpu.vector_store %arg5[%swap3A_165, %swap3A_166], %swap3A_169 {strides = array<i32>} : memref<128x192xf32, #tpu.memory_space<vmem>>, vector<1x16xf32>,
        %get3A_170 = arith.index_cast %shift_right_logical3A_137 : i32 to index
        %get3A_171 = arith.constant 32 : index
        %get3A_172 = tpu.vector_load %arg4[%get3A_170, %get3A_171] {strides = array<i32>} : memref<128x64xf32, #tpu.memory_space<vmem>>, vector<1x16xf32>,
        %get3A_173 = vector.shape_cast %get3A_172 : vector<1x16xf32> to vector<16xf32>
        %swap3A_174 = arith.index_cast %scan3A_135 : i32 to index
        %swap3A_175 = arith.constant 160 : index
        %swap3A_176 = tpu.vector_load %arg5[%swap3A_174, %swap3A_175] {strides = array<i32>} : memref<128x192xf32, #tpu.memory_space<vmem>>, vector<1x16xf32>,
        %swap3A_177 = vector.shape_cast %swap3A_176 : vector<1x16xf32> to vector<16xf32>
        %swap3A_178 = vector.shape_cast %get3A_173 : vector<16xf32> to vector<1x16xf32>
        tpu.vector_store %arg5[%swap3A_174, %swap3A_175], %swap3A_178 {strides = array<i32>} : memref<128x192xf32, #tpu.memory_space<vmem>>, vector<1x16xf32>,
        %swap3A_179 = arith.index_cast %scan3A_135 : i32 to index
        %swap3A_180 = arith.constant 112 : index
        %swap3A_181 = tpu.vector_load %arg5[%swap3A_179, %swap3A_180] {strides = array<i32>} : memref<128x192xf32, #tpu.memory_space<vmem>>, vector<1x16xf32>,
        %swap3A_182 = vector.shape_cast %swap3A_181 : vector<1x16xf32> to vector<16xf32>
        %swap3A_183 = vector.shape_cast %get3A_81 : vector<16xf32> to vector<1x16xf32>
        tpu.vector_store %arg5[%swap3A_179, %swap3A_180], %swap3A_183 {strides = array<i32>} : memref<128x192xf32, #tpu.memory_space<vmem>>, vector<1x16xf32>,
        %get3A_184 = arith.index_cast %shift_right_logical3A_137 : i32 to index
        %get3A_185 = arith.constant 48 : index
        %get3A_186 = tpu.vector_load %arg4[%get3A_184, %get3A_185] {strides = array<i32>} : memref<128x64xf32, #tpu.memory_space<vmem>>, vector<1x16xf32>,
        %get3A_187 = vector.shape_cast %get3A_186 : vector<1x16xf32> to vector<16xf32>
        %swap3A_188 = arith.index_cast %scan3A_135 : i32 to index
        %swap3A_189 = arith.constant 176 : index
        %swap3A_190 = tpu.vector_load %arg5[%swap3A_188, %swap3A_189] {strides = array<i32>} : memref<128x192xf32, #tpu.memory_space<vmem>>, vector<1x16xf32>,
        %swap3A_191 = vector.shape_cast %swap3A_190 : vector<1x16xf32> to vector<16xf32>
        %swap3A_192 = vector.shape_cast %get3A_187 : vector<16xf32> to vector<1x16xf32>
        tpu.vector_store %arg5[%swap3A_188, %swap3A_189], %swap3A_192 {strides = array<i32>} : memref<128x192xf32, #tpu.memory_space<vmem>>, vector<1x16xf32>,
      }
      %scan3A_87 = arith.constant 128 : i32
      %dma_start3A = arith.constant 0 : i32
      %dma_start3A_88 = arith.constant 0 : i32
      %dma_start3A_89 = tpu.memref_slice %arg3[%select_n3A, %add3A_64, %dma_start3A, %dma_start3A_88] : memref<16x128x128x192xf32, #tpu.memory_space<hbm>> -> memref<1x1x128x192xf32, #tpu.memory_space<hbm>>
      %dma_start3A_90 = tpu.memref_squeeze %dma_start3A_89 : memref<1x1x128x192xf32, #tpu.memory_space<hbm>> -> memref<128x192xf32, #tpu.memory_space<hbm>>
      %dma_start3A_91 = arith.constant 0 : i32
      %dma_start3A_92 = arith.constant 0 : i32
      %dma_start3A_93 = tpu.memref_slice %arg3[%select_n3A, %add3A_64, %dma_start3A_91, %dma_start3A_92] : memref<16x128x128x192xf32, #tpu.memory_space<hbm>> -> memref<1x1x128x192xf32, #tpu.memory_space<hbm>>
      %dma_start3A_94 = tpu.memref_squeeze %dma_start3A_93 : memref<1x1x128x192xf32, #tpu.memory_space<hbm>> -> memref<128x192xf32, #tpu.memory_space<hbm>>
      tpu.enqueue_dma source(%arg5 : memref<128x192xf32, #tpu.memory_space<vmem>>) target(%dma_start3A_94 : memref<128x192xf32, #tpu.memory_space<hbm>>) target_semaphore(%arg7 : memref<!tpu.dma_semaphore, #tpu.memory_space<semaphore_mem>>)
      %mul3A_95 = arith.constant 2 : i32
      %mul3A_96 = arith.muli %scan3A_59, %mul3A_95 : i32
      %add3A_97 = arith.addi %mul3A_32, %mul3A_96 : i32
      %add3A_98 = arith.constant 1 : i32
      %add3A_99 = arith.addi %add3A_97, %add3A_98 : i32
      %gt3A_100 = arith.constant 0 : i32
      %gt3A_101 = arith.cmpi sgt, %scan3A_59, %gt3A_100 : i32
      %convert_element_type3A_102 = arith.extui %gt3A_101 : i1 to i32
      %cond3A_103 = arith.constant 0 : i32
      %cond3A_104 = arith.cmpi ne, %convert_element_type3A_102, %cond3A_103 : i32
      scf.if %cond3A_104 {
        %dma_wait3A_135 = arith.constant 0 : i32
        %dma_wait3A_136 = arith.constant 0 : i32
        %dma_wait3A_137 = tpu.memref_slice %arg3[%select_n3A, %mul3A_32, %dma_wait3A_135, %dma_wait3A_136] : memref<16x128x128x192xf32, #tpu.memory_space<hbm>> -> memref<1x1x128x192xf32, #tpu.memory_space<hbm>>
        %dma_wait3A_138 = tpu.memref_squeeze %dma_wait3A_137 : memref<1x1x128x192xf32, #tpu.memory_space<hbm>> -> memref<128x192xf32, #tpu.memory_space<hbm>>
        %dma_wait3A_139 = arith.constant 0 : i32
        %dma_wait3A_140 = arith.constant 0 : i32
        %dma_wait3A_141 = tpu.memref_slice %arg3[%select_n3A, %mul3A_32, %dma_wait3A_139, %dma_wait3A_140] : memref<16x128x128x192xf32, #tpu.memory_space<hbm>> -> memref<1x1x128x192xf32, #tpu.memory_space<hbm>>
        %dma_wait3A_142 = tpu.memref_squeeze %dma_wait3A_141 : memref<1x1x128x192xf32, #tpu.memory_space<hbm>> -> memref<128x192xf32, #tpu.memory_space<hbm>>
        tpu.wait_dma2 semaphore(%arg8 : memref<!tpu.dma_semaphore, #tpu.memory_space<semaphore_mem>>) src(%arg6 : memref<128x192xf32, #tpu.memory_space<vmem>>) dst(%dma_wait3A_142 : memref<128x192xf32, #tpu.memory_space<hbm>>)
      } else {
      }
      %get3A_105 = arith.index_cast %add3A_99 : i32 to index
      %get3A_106 = arith.constant 0 : index
      %get3A_107 = tpu.vector_load %arg4[%get3A_105, %get3A_106] {strides = array<i32>} : memref<128x64xf32, #tpu.memory_space<vmem>>, vector<1x16xf32>,
      %get3A_108 = vector.shape_cast %get3A_107 : vector<1x16xf32> to vector<16xf32>
      %get3A_109 = arith.index_cast %add3A_99 : i32 to index
      %get3A_110 = arith.constant 16 : index
      %get3A_111 = tpu.vector_load %arg4[%get3A_109, %get3A_110] {strides = array<i32>} : memref<128x64xf32, #tpu.memory_space<vmem>>, vector<1x16xf32>,
      %get3A_112 = vector.shape_cast %get3A_111 : vector<1x16xf32> to vector<16xf32>
      %get3A_113 = arith.index_cast %add3A_99 : i32 to index
      %get3A_114 = arith.constant 32 : index
      %get3A_115 = tpu.vector_load %arg4[%get3A_113, %get3A_114] {strides = array<i32>} : memref<128x64xf32, #tpu.memory_space<vmem>>, vector<1x16xf32>,
      %get3A_116 = vector.shape_cast %get3A_115 : vector<1x16xf32> to vector<16xf32>
      %get3A_117 = arith.index_cast %add3A_99 : i32 to index
      %get3A_118 = arith.constant 48 : index
      %get3A_119 = tpu.vector_load %arg4[%get3A_117, %get3A_118] {strides = array<i32>} : memref<128x64xf32, #tpu.memory_space<vmem>>, vector<1x16xf32>,
      %get3A_120 = vector.shape_cast %get3A_119 : vector<1x16xf32> to vector<16xf32>
      %scan3A_121 = arith.constant 0 : i32
      %scan3A_122 = arith.constant 0 : i32
      %scan3A_123 = arith.constant 128 : i32
      %scan3A_124 = arith.addi %scan3A_122, %scan3A_123 : i32
      %scan3A_125 = arith.constant 1 : i32
      scf.for %scan3A_135 = %scan3A_122 to %scan3A_124 step %scan3A_125  : i32 {
        %add3A_136 = arith.addi %add3A_99, %scan3A_135 : i32
        %shift_right_logical3A = arith.constant 1 : i32
        %shift_right_logical3A_137 = arith.shrui %add3A_136, %shift_right_logical3A : i32
        %swap3A = arith.index_cast %scan3A_135 : i32 to index
        %swap3A_138 = arith.constant 64 : index
        %swap3A_139 = tpu.vector_load %arg6[%swap3A, %swap3A_138] {strides = array<i32>} : memref<128x192xf32, #tpu.memory_space<vmem>>, vector<1x16xf32>,
        %swap3A_140 = vector.shape_cast %swap3A_139 : vector<1x16xf32> to vector<16xf32>
        %swap3A_141 = vector.shape_cast %get3A_108 : vector<16xf32> to vector<1x16xf32>
        tpu.vector_store %arg6[%swap3A, %swap3A_138], %swap3A_141 {strides = array<i32>} : memref<128x192xf32, #tpu.memory_space<vmem>>, vector<1x16xf32>,
        %get3A_142 = arith.index_cast %shift_right_logical3A_137 : i32 to index
        %get3A_143 = arith.constant 0 : index
        %get3A_144 = tpu.vector_load %arg4[%get3A_142, %get3A_143] {strides = array<i32>} : memref<128x64xf32, #tpu.memory_space<vmem>>, vector<1x16xf32>,
        %get3A_145 = vector.shape_cast %get3A_144 : vector<1x16xf32> to vector<16xf32>
        %swap3A_146 = arith.index_cast %scan3A_135 : i32 to index
        %swap3A_147 = arith.constant 128 : index
        %swap3A_148 = tpu.vector_load %arg6[%swap3A_146, %swap3A_147] {strides = array<i32>} : memref<128x192xf32, #tpu.memory_space<vmem>>, vector<1x16xf32>,
        %swap3A_149 = vector.shape_cast %swap3A_148 : vector<1x16xf32> to vector<16xf32>
        %swap3A_150 = vector.shape_cast %get3A_145 : vector<16xf32> to vector<1x16xf32>
        tpu.vector_store %arg6[%swap3A_146, %swap3A_147], %swap3A_150 {strides = array<i32>} : memref<128x192xf32, #tpu.memory_space<vmem>>, vector<1x16xf32>,
        %swap3A_151 = arith.index_cast %scan3A_135 : i32 to index
        %swap3A_152 = arith.constant 80 : index
        %swap3A_153 = tpu.vector_load %arg6[%swap3A_151, %swap3A_152] {strides = array<i32>} : memref<128x192xf32, #tpu.memory_space<vmem>>, vector<1x16xf32>,
        %swap3A_154 = vector.shape_cast %swap3A_153 : vector<1x16xf32> to vector<16xf32>
        %swap3A_155 = vector.shape_cast %get3A_112 : vector<16xf32> to vector<1x16xf32>
        tpu.vector_store %arg6[%swap3A_151, %swap3A_152], %swap3A_155 {strides = array<i32>} : memref<128x192xf32, #tpu.memory_space<vmem>>, vector<1x16xf32>,
        %get3A_156 = arith.index_cast %shift_right_logical3A_137 : i32 to index
        %get3A_157 = arith.constant 16 : index
        %get3A_158 = tpu.vector_load %arg4[%get3A_156, %get3A_157] {strides = array<i32>} : memref<128x64xf32, #tpu.memory_space<vmem>>, vector<1x16xf32>,
        %get3A_159 = vector.shape_cast %get3A_158 : vector<1x16xf32> to vector<16xf32>
        %swap3A_160 = arith.index_cast %scan3A_135 : i32 to index
        %swap3A_161 = arith.constant 144 : index
        %swap3A_162 = tpu.vector_load %arg6[%swap3A_160, %swap3A_161] {strides = array<i32>} : memref<128x192xf32, #tpu.memory_space<vmem>>, vector<1x16xf32>,
        %swap3A_163 = vector.shape_cast %swap3A_162 : vector<1x16xf32> to vector<16xf32>
        %swap3A_164 = vector.shape_cast %get3A_159 : vector<16xf32> to vector<1x16xf32>
        tpu.vector_store %arg6[%swap3A_160, %swap3A_161], %swap3A_164 {strides = array<i32>} : memref<128x192xf32, #tpu.memory_space<vmem>>, vector<1x16xf32>,
        %swap3A_165 = arith.index_cast %scan3A_135 : i32 to index
        %swap3A_166 = arith.constant 96 : index
        %swap3A_167 = tpu.vector_load %arg6[%swap3A_165, %swap3A_166] {strides = array<i32>} : memref<128x192xf32, #tpu.memory_space<vmem>>, vector<1x16xf32>,
        %swap3A_168 = vector.shape_cast %swap3A_167 : vector<1x16xf32> to vector<16xf32>
        %swap3A_169 = vector.shape_cast %get3A_116 : vector<16xf32> to vector<1x16xf32>
        tpu.vector_store %arg6[%swap3A_165, %swap3A_166], %swap3A_169 {strides = array<i32>} : memref<128x192xf32, #tpu.memory_space<vmem>>, vector<1x16xf32>,
        %get3A_170 = arith.index_cast %shift_right_logical3A_137 : i32 to index
        %get3A_171 = arith.constant 32 : index
        %get3A_172 = tpu.vector_load %arg4[%get3A_170, %get3A_171] {strides = array<i32>} : memref<128x64xf32, #tpu.memory_space<vmem>>, vector<1x16xf32>,
        %get3A_173 = vector.shape_cast %get3A_172 : vector<1x16xf32> to vector<16xf32>
        %swap3A_174 = arith.index_cast %scan3A_135 : i32 to index
        %swap3A_175 = arith.constant 160 : index
        %swap3A_176 = tpu.vector_load %arg6[%swap3A_174, %swap3A_175] {strides = array<i32>} : memref<128x192xf32, #tpu.memory_space<vmem>>, vector<1x16xf32>,
        %swap3A_177 = vector.shape_cast %swap3A_176 : vector<1x16xf32> to vector<16xf32>
        %swap3A_178 = vector.shape_cast %get3A_173 : vector<16xf32> to vector<1x16xf32>
        tpu.vector_store %arg6[%swap3A_174, %swap3A_175], %swap3A_178 {strides = array<i32>} : memref<128x192xf32, #tpu.memory_space<vmem>>, vector<1x16xf32>,
        %swap3A_179 = arith.index_cast %scan3A_135 : i32 to index
        %swap3A_180 = arith.constant 112 : index
        %swap3A_181 = tpu.vector_load %arg6[%swap3A_179, %swap3A_180] {strides = array<i32>} : memref<128x192xf32, #tpu.memory_space<vmem>>, vector<1x16xf32>,
        %swap3A_182 = vector.shape_cast %swap3A_181 : vector<1x16xf32> to vector<16xf32>
        %swap3A_183 = vector.shape_cast %get3A_120 : vector<16xf32> to vector<1x16xf32>
        tpu.vector_store %arg6[%swap3A_179, %swap3A_180], %swap3A_183 {strides = array<i32>} : memref<128x192xf32, #tpu.memory_space<vmem>>, vector<1x16xf32>,
        %get3A_184 = arith.index_cast %shift_right_logical3A_137 : i32 to index
        %get3A_185 = arith.constant 48 : index
        %get3A_186 = tpu.vector_load %arg4[%get3A_184, %get3A_185] {strides = array<i32>} : memref<128x64xf32, #tpu.memory_space<vmem>>, vector<1x16xf32>,
        %get3A_187 = vector.shape_cast %get3A_186 : vector<1x16xf32> to vector<16xf32>
        %swap3A_188 = arith.index_cast %scan3A_135 : i32 to index
        %swap3A_189 = arith.constant 176 : index
        %swap3A_190 = tpu.vector_load %arg6[%swap3A_188, %swap3A_189] {strides = array<i32>} : memref<128x192xf32, #tpu.memory_space<vmem>>, vector<1x16xf32>,
        %swap3A_191 = vector.shape_cast %swap3A_190 : vector<1x16xf32> to vector<16xf32>
        %swap3A_192 = vector.shape_cast %get3A_187 : vector<16xf32> to vector<1x16xf32>
        tpu.vector_store %arg6[%swap3A_188, %swap3A_189], %swap3A_192 {strides = array<i32>} : memref<128x192xf32, #tpu.memory_space<vmem>>, vector<1x16xf32>,
      }
      %scan3A_126 = arith.constant 128 : i32
      %dma_start3A_127 = arith.constant 0 : i32
      %dma_start3A_128 = arith.constant 0 : i32
      %dma_start3A_129 = tpu.memref_slice %arg3[%select_n3A, %add3A_99, %dma_start3A_127, %dma_start3A_128] : memref<16x128x128x192xf32, #tpu.memory_space<hbm>> -> memref<1x1x128x192xf32, #tpu.memory_space<hbm>>
      %dma_start3A_130 = tpu.memref_squeeze %dma_start3A_129 : memref<1x1x128x192xf32, #tpu.memory_space<hbm>> -> memref<128x192xf32, #tpu.memory_space<hbm>>
      %dma_start3A_131 = arith.constant 0 : i32
      %dma_start3A_132 = arith.constant 0 : i32
      %dma_start3A_133 = tpu.memref_slice %arg3[%select_n3A, %add3A_99, %dma_start3A_131, %dma_start3A_132] : memref<16x128x128x192xf32, #tpu.memory_space<hbm>> -> memref<1x1x128x192xf32, #tpu.memory_space<hbm>>
      %dma_start3A_134 = tpu.memref_squeeze %dma_start3A_133 : memref<1x1x128x192xf32, #tpu.memory_space<hbm>> -> memref<128x192xf32, #tpu.memory_space<hbm>>
      tpu.enqueue_dma source(%arg6 : memref<128x192xf32, #tpu.memory_space<vmem>>) target(%dma_start3A_134 : memref<128x192xf32, #tpu.memory_space<hbm>>) target_semaphore(%arg8 : memref<!tpu.dma_semaphore, #tpu.memory_space<semaphore_mem>>)
    }
    %scan3A_43 = arith.constant 32 : i32
    %dma_wait3A = arith.constant 0 : i32
    %dma_wait3A_44 = arith.constant 0 : i32
    %dma_wait3A_45 = tpu.memref_slice %arg3[%select_n3A, %mul3A_32, %dma_wait3A, %dma_wait3A_44] : memref<16x128x128x192xf32, #tpu.memory_space<hbm>> -> memref<1x1x128x192xf32, #tpu.memory_space<hbm>>
    %dma_wait3A_46 = tpu.memref_squeeze %dma_wait3A_45 : memref<1x1x128x192xf32, #tpu.memory_space<hbm>> -> memref<128x192xf32, #tpu.memory_space<hbm>>
    %dma_wait3A_47 = arith.constant 0 : i32
    %dma_wait3A_48 = arith.constant 0 : i32
    %dma_wait3A_49 = tpu.memref_slice %arg3[%select_n3A, %mul3A_32, %dma_wait3A_47, %dma_wait3A_48] : memref<16x128x128x192xf32, #tpu.memory_space<hbm>> -> memref<1x1x128x192xf32, #tpu.memory_space<hbm>>
    %dma_wait3A_50 = tpu.memref_squeeze %dma_wait3A_49 : memref<1x1x128x192xf32, #tpu.memory_space<hbm>> -> memref<128x192xf32, #tpu.memory_space<hbm>>
    tpu.wait_dma2 semaphore(%arg7 : memref<!tpu.dma_semaphore, #tpu.memory_space<semaphore_mem>>) src(%arg5 : memref<128x192xf32, #tpu.memory_space<vmem>>) dst(%dma_wait3A_50 : memref<128x192xf32, #tpu.memory_space<hbm>>)
    %dma_wait3A_51 = arith.constant 0 : i32
    %dma_wait3A_52 = arith.constant 0 : i32
    %dma_wait3A_53 = tpu.memref_slice %arg3[%select_n3A, %mul3A_32, %dma_wait3A_51, %dma_wait3A_52] : memref<16x128x128x192xf32, #tpu.memory_space<hbm>> -> memref<1x1x128x192xf32, #tpu.memory_space<hbm>>
    %dma_wait3A_54 = tpu.memref_squeeze %dma_wait3A_53 : memref<1x1x128x192xf32, #tpu.memory_space<hbm>> -> memref<128x192xf32, #tpu.memory_space<hbm>>
    %dma_wait3A_55 = arith.constant 0 : i32
    %dma_wait3A_56 = arith.constant 0 : i32
    %dma_wait3A_57 = tpu.memref_slice %arg3[%select_n3A, %mul3A_32, %dma_wait3A_55, %dma_wait3A_56] : memref<16x128x128x192xf32, #tpu.memory_space<hbm>> -> memref<1x1x128x192xf32, #tpu.memory_space<hbm>>
    %dma_wait3A_58 = tpu.memref_squeeze %dma_wait3A_57 : memref<1x1x128x192xf32, #tpu.memory_space<hbm>> -> memref<128x192xf32, #tpu.memory_space<hbm>>
    tpu.wait_dma2 semaphore(%arg8 : memref<!tpu.dma_semaphore, #tpu.memory_space<semaphore_mem>>) src(%arg6 : memref<128x192xf32, #tpu.memory_space<vmem>>) dst(%dma_wait3A_58 : memref<128x192xf32, #tpu.memory_space<hbm>>)
    return
  }
}

</mosaic_0001>

<sc_bundles>
// kernel: kernel.3.cloned.1.call-start
scs
__scs_entry_jumppad:
0x0: {  	(pc) =	sbr.rel $0x88, $3  }
0x1: {  	(tag) =	ssettag $0x0;
	lr =	simm.s32 $0x1  }
0x2: {  	[smem:$0x3FA0] =	sst lr;
	_ =	strace $0xD0000000  }
0x3: {  	_ = 	snop  }
0x4: {  	_ = 	snop  }
0x5: {  	_ = 	snop  }
0x6: {  	_ = 	snop  }
0x7: {  	_ = 	snop  }
__scs_overlays_trampoline_lowered:
0x8: {  	[smem:$0x3FAF] =	sst s0  }
0x9: {  	[smem:$0x3FB0] =	sst s1  }
0xa: {  	[smem:$0x3FB1] =	sst s2  }
0xb: {  	[smem:$0x3FB2] =	sst s3  }
0xc: {  	[smem:$0x3FB3] =	sst s4  }
0xd: {  	[smem:$0x3FB4] =	sst s5  }
0xe: {  	[smem:$0x3FB5] =	sst s6  }
0xf: {  	[smem:$0x3FB6] =	sst s7  }
0x10: {  	[smem:$0x3FB7] =	sst s8  }
0x11: {  	[smem:$0x3FB8] =	sst s9;
	s0 =	simm.s32 @!p0 $0x0  }
0x12: {  	s1 =	sld [smem:$0x3F9E];
	s0 =	simm.s32 @p0 $0x1  }
0x13: {  	[smem:$0x3FB9] =	sst s0;
	s0 =	simm.s32 @!p1 $0x0  }
0x14: {  	s2 =	sld [smem:$0x3F9D];
	s0 =	simm.s32 @p1 $0x1  }
0x15: {  	[smem:$0x3FBA] =	sst s0;
	s0 =	simm.s32 @!p2 $0x0  }
0x16: {  	s3 =	sld [smem:$0x3FDB];
	s0 =	simm.s32 @p2 $0x1  }
0x17: {  	s4 =	simm.s32 $0x1BF5;
	[smem:$0x3FBC] =	sst s0  }
0x18: {  	s0 =	sld [smem:$0x3F9F];
	_ =	swait.ge [sflag:s4], $0x0  }
0x19: {  	s7 =	sld [smem:$0x3FA0]  }
0x1a: {  	s8 =	sadd.s32 $0xFFFFE003, lr  }
0x1b: {  	s9 =	sadd.s32 $0xFFFFFEF7, lr;
	s5 =	simm.s32 $0xFFFFFFFF;
	p2 =	slt.u32 s8, $0xFFFFF086  }
0x1c: {  	p1 =	slt.u32 s9, $0xF7A;
	s5 =	simm.s32 @!p2 $0x0  }
0x1d: {  	s5 =	simm.s32 @p1 $0x1;
	p0 =	seq.s32 s7, s2  }
0x1e: {  	s7 =	smul.u32 @!p0 $0xF7A, s2;
	p2 =	seq.s32 @!p0 s5, $0x0  }
0x1f: {  	s9 =	smul.u32 $0xF7A, s1;
	s8 =	simm.s32 @!p0 $0x1BF5;
	p2 =	por !p2, p0  }
0x20: {  	[sflag:s8] =	ssyncset.s32 @!p0 $0xFFFFF086;
	s6 =	sadd.s32 @!p0 s3, s7;
	s7 =	simm.s32 @!p0 $0x108  }
0x21: {  	s3 =	sadd.s32 s3, s9;
	s6 =	sadd.s32 @!p0 $0x88, s6;
	s7 =	simm.s32 @p2 $0x1082  }
0x22: {  	[simem:s7], [sflag:s8] =	dma.local @!p0 [hbm:s6], $0xF7A  }
0x23: {  	s9 =	sor.u32 $0xD0000000, s2;
	s6 =	simm.s32 $0x108;
	_ =	swait.ge @!p0 [sflag:s8], $0x0  }
0x24: {  	s3 =	sadd.s32 $0x88, s3;
	s6 =	simm.s32 @!p1 $0x1082;
	[sflag:s4] =	ssyncset.s32 $0xFFFFF086  }
0x25: {  	[simem:s6], [sflag:s4] =	dma.local [hbm:s3], $0xF7A  }
0x26: {  	[smem:$0x3FA0] =	sst s1;
	(tag) =	ssettag s2;
	_ =	strace s9  }
0x27: {  	s1 =	sld [smem:$0x3FB0]  }
0x28: {  	s2 =	sld [smem:$0x3FB1]  }
0x29: {  	s4 =	sld [smem:$0x3FB3]  }
0x2a: {  	p0 =	seq.s32 s5, $0x0;
	s5 =	sld [smem:$0x3FB4]  }
0x2b: {  	s6 =	sld [smem:$0x3FB5]  }
0x2c: {  	s7 =	sld [smem:$0x3FB6]  }
0x2d: {  	s3 =	simm.s32 $0x108;
	s8 =	sld [smem:$0x3FB7]  }
0x2e: {  	s3 =	simm.s32 @!p0 $0x1082;
	s9 =	sld [smem:$0x3FB8]  }
0x2f: {  	lr =	sadd.s32 s0, s3;
	s0 =	sld [smem:$0x3FAF]  }
0x30: {  	s3 =	sld [smem:$0x3FB2]  }
0x31: {  	[smem:$0x3FBB] =	sst s10  }
0x32: {  	s10 =	sld [smem:$0x3FB9];
	_ =	sdelay $0x3  }
0x33: {  	p0 =	seq.s32 s10, $0x1;
	s10 =	sld [smem:$0x3FBB];
	_ =	sdelay $0x3  }
0x34: {  	[smem:$0x3FBB] =	sst s10  }
0x35: {  	s10 =	sld [smem:$0x3FBA];
	_ =	sdelay $0x3  }
0x36: {  	p1 =	seq.s32 s10, $0x1;
	s10 =	sld [smem:$0x3FBB];
	_ =	sdelay $0x3  }
0x37: {  	[smem:$0x3FBB] =	sst s10  }
0x38: {  	s10 =	sld [smem:$0x3FBC]  }
0x39: {  	_ = 	snop;
	(pc) =	sbr.ind lr, $3  }
0x3a: {  	_ = 	snop  }
0x3b: {  	_ = 	snop  }
0x3c: {  	p2 =	seq.s32 s10, $0x1;
	s10 =	sld [smem:$0x3FBB]  }
0x3d: {  	_ =	shalt  }
0x3e: {  	_ =	shalt  }
0x3f: {  	_ =	shalt  }
0x40: {  	_ =	shalt  }
0x41: {  	_ =	shalt  }
0x42: {  	_ =	shalt  }
0x43: {  	_ =	shalt  }
0x44: {  	_ =	shalt  }
0x45: {  	_ =	shalt  }
0x46: {  	_ =	shalt  }
0x47: {  	_ =	shalt  }
0x48: {  	_ =	shalt  }
0x49: {  	_ =	shalt  }
0x4a: {  	_ =	shalt  }
0x4b: {  	_ =	shalt  }
0x4c: {  	_ =	shalt  }
0x4d: {  	_ =	shalt  }
0x4e: {  	_ =	shalt  }
0x4f: {  	_ =	shalt  }
0x50: {  	_ =	shalt  }
0x51: {  	_ =	shalt  }
0x52: {  	_ =	shalt  }
0x53: {  	_ =	shalt  }
0x54: {  	_ =	shalt  }
0x55: {  	_ =	shalt  }
0x56: {  	_ =	shalt  }
0x57: {  	_ =	shalt  }
0x58: {  	_ =	shalt  }
0x59: {  	_ =	shalt  }
0x5a: {  	_ =	shalt  }
0x5b: {  	_ =	shalt  }
0x5c: {  	_ =	shalt  }
0x5d: {  	_ =	shalt  }
0x5e: {  	_ =	shalt  }
0x5f: {  	_ =	shalt  }
0x60: {  	_ =	shalt  }
0x61: {  	_ =	shalt  }
0x62: {  	_ =	shalt  }
0x63: {  	_ =	shalt  }
0x64: {  	_ =	shalt  }
0x65: {  	_ =	shalt  }
0x66: {  	_ =	shalt  }
0x67: {  	_ =	shalt  }
0x68: {  	_ =	shalt  }
0x69: {  	_ =	shalt  }
0x6a: {  	_ =	shalt  }
0x6b: {  	_ =	shalt  }
0x6c: {  	_ =	shalt  }
0x6d: {  	_ =	shalt  }
0x6e: {  	_ =	shalt  }
0x6f: {  	_ =	shalt  }
0x70: {  	_ =	shalt  }
0x71: {  	_ =	shalt  }
0x72: {  	_ =	shalt  }
0x73: {  	_ =	shalt  }
0x74: {  	_ =	shalt  }
0x75: {  	_ =	shalt  }
0x76: {  	_ =	shalt  }
0x77: {  	_ =	shalt  }
0x78: {  	_ =	shalt  }
0x79: {  	_ =	shalt  }
0x7a: {  	_ =	shalt  }
0x7b: {  	_ =	shalt  }
0x7c: {  	_ =	shalt  }
0x7d: {  	_ =	shalt  }
0x7e: {  	_ =	shalt  }
0x7f: {  	_ =	shalt  }
0x80: {  	_ =	shalt  }
0x81: {  	_ =	shalt  }
0x82: {  	_ =	shalt  }
0x83: {  	_ =	shalt  }
0x84: {  	_ =	shalt  }
0x85: {  	_ =	shalt  }
0x86: {  	_ =	shalt  }
0x87: {  	_ =	shalt  }
.Lfunc_end0:
.L_simem_size_0:
called_computation.1_lowered:
.L_overlay_start_0:
0x88: {  	s2 =	sld [smem:$0x3FD9]  }
0x89: {  	s3 =	sld [smem:$0x3FFE];
	_ =	sdelay $0x1  }
0x8a: {  	s1 =	srdreg.scid  }
0x8b: {  	s0 =	sand.u32 $0x1, s1  }
0x8c: {  	s17 =	sshll.u32 s0, $0xA;
	s2 =	sadd.s32 s3, s2  }
0x8d: {  	s2 =	sadd.s32 s2, s17  }
0x8e: {  	[smem:$0x3FC7] =	sst s2  }
0x8f: {  	_ = 	snop  }
0x90: {  	s2 =	sld [smem:$0x3FD0];
	(tm) =	ssettm $0x1  }
0x91: {  	s18 =	sld [smem:$0x3FFB];
	_ =	sdelay $0x3  }
0x92: {  	_ =	strace s18  }
0x93: {  	s3 =	sld [smem:$0x3FFC];
	_ =	sdelay $0x3  }
0x94: {  	_ =	strace s3  }
0x95: {  	s3 =	sld [smem:$0x3FFD];
	_ =	sdelay $0x3  }
0x96: {  	_ =	strace s3  }
0x97: {  	_ =	strace $0x8FFFFFFF  }
0x98: {  	s19 =	sld [smem:$0x3FDB];
	_ =	sdelay $0x1  }
0x99: {  	s4 =	simm.s32 $_scs_section_size  }
0x9a: {  	s5 =	simm.s32 $_size__tile_overlayer_lowered;
	s6 =	simm.s32 $_tile_overlayer_lowered  }
0x9b: {  	s22 =	simm.s32 $0x1BFF;
	s21 =	sshll.u32 s6, $0x1;
	s3 =	sadd.s32 s4, s19  }
0x9c: {  	s7 =	simm.s32 $0x0;
	s20 =	sshll.u32 s5, $0x1;
	s5 =	sadd.s32 s21, s3  }
0x9d: {  	[timem:s7], [sflag:s22] =	dma.local [hbm:s5], s20  }
0x9e: {  	_ =	swait.ge [sflag:s22], s20  }
0x9f: {  	s4 =	ssub.s32 $0x0, s20;
	[sflag:s22] =	ssyncset.done $0x0  }
0xa0: {  	[sflag:s22] =	ssyncadd.s32 s4;
	_ =	sdelay $0x1  }
0xa1: {  	s23 =	simm.s32 $0x1B8B  }
0xa2: {  	_ =	swait.ge [sflag:s23], $0x1  }
0xa3: {  	[sflag:s23] =	ssyncset.done $0x0  }
0xa4: {  	s25 =	simm.s32 $0x1B8E;
	s24 =	sld [smem:$0x3FFE];
	[sflag:s23] =	ssyncadd.s32 $0xFFFFFFFF  }
0xa5: {  	s26 =	simm.s32 $execute0_lowered;
	[smem:$0x3FD2] =	sst s25  }
0xa6: {  	s5 =	sshll.u32 s26, $0x1;
	_ =	strace $0x80000046;
	[dreg:$0x1] =	wrdreg $0xFFFFFFFF  }
0xa7: {  	s28 =	simm.s32 $_size_execute0_lowered;
	s3 =	sadd.s32 s3, s5;
	[dreg:$0x0] =	wrdreg $0x0  }
0xa8: {  	s5 =	sshll.u32 s28, $0x1;
	[dreg:$0x2] =	wrdreg s3  }
0xa9: {  	[dreg:$0x3] =	wrdreg s5  }
0xaa: {  	[dreg:$0x4] =	wrdreg $0xC0  }
0xab: {  	_ =	task [dreg:s7], $0x5FFFF  }
0xac: {  	[dreg:$0x1] =	wrdreg $0xFFFFFFFF  }
0xad: {  	[dreg:$0x0] =	wrdreg $0x60  }
0xae: {  	[dreg:$0x2] =	wrdreg s2  }
0xaf: {  	[dreg:$0x3] =	wrdreg s24  }
0xb0: {  	[dreg:$0x4] =	wrdreg $0x9  }
0xb1: {  	_ =	task.clear_ibuf [dreg:s7], $0x5FFFF;
	_ =	strace $0x90000046  }
0xb2: {  	s29 =	simm.s32 $0x9;
	_ =	strace $0x80000048  }
0xb3: {  	_ =	swait.ge [sflag:s29], $0x1  }
0xb4: {  	[sflag:s29] =	ssyncadd.s32 $0xFFFFFFFF  }
0xb5: {  	_ =	strace $0x90000048  }
0xb6: {  	_ =	sfence  }
0xb7: {  	s30 =	sld [smem:$0x0];
	_ =	sdelay $0x2  }
0xb8: {  	s31 =	sshll.u32 s1, $0xD;
	s1 =	sshrl.u32 s1, $0x2  }
0xb9: {  	s3 =	sand.u32 $0x4000, s31;
	s1 =	sadd.s32 s1, s30  }
0xba: {  	s0 =	sor.u32 s3, s0;
	s1 =	sshll.u32 s1, $0x11  }
0xbb: {  	s0 =	sor.u32 s1, s0  }
0xbc: {  	s0 =	sadd.s32 $0x8F2B, s0  }
0xbd: {  	[sflag:s0] =	ssyncadd.remote.s32 $0x1  }
0xbe: {  	_ =	sfence.sel $0xFFFF  }
0xbf: {  	[dreg:$0x0] =	wrdreg $0xFFFFFFFF;
	(pc) =	sbr.abs _section_cstart, $3  }
0xc0: {  	[dreg:$0x1] =	wrdreg $0xFFFFFFFF  }
0xc1: {  	_ =	task.clear_ibuf [dreg:s7], $0x2FFFF;
	_ =	strace $0x9FFFFFFF  }
0xc2: {  	(tm) =	ssettm $0x7FFFFFFF  }
0xc3: {  	_ =	shalt  }
tec
execute0_lowered:
.L_overlay_start_1:
0x0: {  	(tag) =	ssettag $0x1  }
0x1: {  	s1 =	srdreg.scid;
	s6 =	rddreg [dreg:$0x0]  }
0x2: {  	s0 =	stileid.u32;
	s3 =	rddreg [dreg:$0x1];
	s4 =	simm.s32 $0x1  }
0x3: {  	s2 =	simm.s32 $0x0;
	s11 =	simm.s32 $0x3;
	s9 =	sand.u32 $0x1, s1  }
0x4: {  	s12 =	simm.s32 $0x4000;
	s13 =	simm.s32 $0xC000;
	s1 =	sor.u32 s9, s0  }
0x5: {  	s14 =	simm.s32 $0x2;
	p1 =	seq.s32 s9, $0x1;
	p0 =	seq.s32 s1, $0x0  }
0x6: {  	s15 =	simm.s32 $0x0;
	[smem:$0x7FF] =	sst s2;
	p0 =	por !p0, !p1  }
0x7: {  	s3 =	sadd.s32 $0x800, s3;
	s5 =	ssub.s32 $0x2, s9;
	p0 =	por !p0, !p0  }
0x8: {  	s1 =	rddreg [dreg:$0x2];
	s31 =	sshrl.u32 s5, $0x1;
	s4 =	simm.s32 @!p0 $0x0  }
0x9: {  	_ =	strace $0x80000047;
	s10 =	ssub.s32 s5, s31;
	s7 =	ssub.s32 s0, s4  }
0xa: {  	s5 =	sshll.u32 s9, $0x6;
	s9 =	sshll.u32 s9, $0xC;
	s8 =	sshll.u32 s7, $0xB  }
0xb: {  	s4 =	simm.s32 $0x1;
	s7 =	sshll.u32 s7, $0x16;
	s8 =	sand.u32 $0x1FFFF800, s8  }
0xc: {  	s6 =	sadd.s32 s6, s8;
	s8 =	smax.u32 s10, $0x1;
	s10 =	sor.u32 $0x40, s9  }
.LBB2_1:
0xd: {  	[tilespmem:s2], [sflag:$0x3] =	stream.linear.gather [hbm4b:s6+s2], $0x4000, $0x38;
	[tilespmem:$0x14000] =	vst v63  }
0xe: {  	_ =	swait.ge [sflag:s11], $0x4000  }
0xf: {  	[sflag:s11] =	ssyncset.done $0x0  }
0x10: {  	s17 =	simm.s32 $0x20;
	[sflag:s11] =	ssyncadd.s32 $0xFFFFC000  }
0x11: {  	v0 =	vld [tilespmem:s17+$0xFFFFFFE0];
	_ =	sdelay $0x2  }
0x12: {  	s16 =	sand.u32 $0x7800, s2;
	s18 =	sand.u32 $0x380, s2  }
0x13: {  	s18 =	sor.u32 s18, s16  }
0x14: {  	[tilespmem:s18+$0x4000] =	vst v0  }
0x15: {  	[tilespmem:s18+$0xC000] =	vst v0  }
0x16: {  	v0 =	vld [tilespmem:s17+$0xFFFFFFF0];
	_ =	sdelay $0x4  }
0x17: {  	[tilespmem:s18+$0x4010] =	vst v0  }
0x18: {  	[tilespmem:s18+$0xC010] =	vst v0  }
0x19: {  	v0 =	vld [tilespmem:s17+$0x0];
	_ =	sdelay $0x4  }
0x1a: {  	[tilespmem:s18+$0x4020] =	vst v0  }
0x1b: {  	[tilespmem:s18+$0xC020] =	vst v0  }
0x1c: {  	v0 =	vld [tilespmem:s17+$0x10]  }
0x1d: {  	s19 =	simm.s32 $0x80;
	s20 =	simm.s32 $0x0  }
.LBB2_2:
0x1e: {  	p0 =	sne.s32 s19, $0x3F80;
	s20 =	sadd.s32 $0x100, s20;
	s17 =	sadd.s32 $0x80, s17  }
0x1f: {  	s16 =	smov.u32 s19;
	s19 =	sadd.s32 $0x80, s19;
	_ =	sdelay $0x1  }
0x20: {  	[tilespmem:s18+$0x4030] =	vst v0  }
0x21: {  	[tilespmem:s18+$0xC030] =	vst v0  }
0x22: {  	v0 =	vld [tilespmem:s17+$0xFFFFFFE0];
	_ =	sdelay $0x2  }
0x23: {  	s16 =	sand.u32 $0x380, s16;
	s18 =	sand.u32 $0x7800, s20  }
0x24: {  	s18 =	sor.u32 s16, s18  }
0x25: {  	[tilespmem:s18+$0x4000] =	vst v0  }
0x26: {  	[tilespmem:s18+$0xC000] =	vst v0  }
0x27: {  	v0 =	vld [tilespmem:s17+$0xFFFFFFF0];
	_ =	sdelay $0x4  }
0x28: {  	[tilespmem:s18+$0x4010] =	vst v0  }
0x29: {  	[tilespmem:s18+$0xC010] =	vst v0  }
0x2a: {  	v0 =	vld [tilespmem:s17+$0x0];
	_ =	sdelay $0x3  }
.Ltmp0:
0x2b: {  	(pc) =	sbr.rel @p0 .LBB2_2-.Ltmp0, $4  }
0x2c: {  	[tilespmem:s18+$0x4020] =	vst v0  }
0x2d: {  	[tilespmem:s18+$0xC020] =	vst v0  }
0x2e: {  	v0 =	vld [tilespmem:s17+$0x10]  }
0x2f: {  	s16 =	simm.s32 $0x0  }
0x30: {  	_ =	sdelay $0x2  }
0x31: {  	[tilespmem:s18+$0x4030] =	vst v0  }
0x32: {  	s17 =	smov.u32 s10;
	s19 =	simm.s32 $0x0;
	[tilespmem:s18+$0xC030] =	vst v0;
	s18 =	smov.u32 s9  }
.LBB2_4:
0x33: {  	p0 =	seq.s32 s19, $0x0  }
0x34: {  	s20 =	sshll.u32 s19, $0x1;
	s21 =	simm.s32 @!p0 $0x1  }
0x35: {  	s20 =	sadd.s32 s5, s20;
	_ =	swait.ge @!p0 [sflag:s21], $0x8000  }
0x36: {  	s22 =	sshll.u32 s20, $0x7;
	[sflag:s21] =	ssyncset.done @!p0 $0x0  }
0x37: {  	s29 =	sand.u32 $0x3FFFFF80, s22;
	[sflag:s21] =	ssyncadd.s32 @!p0 $0xFFFF8000  }
0x38: {  	v3 =	vld [tilespmem:s29+$0x0];
	_ =	sdelay $0x2  }
0x39: {  	s30 =	sand.u32 $0x7800, s16;
	s23 =	sand.u32 $0x380, s16;
	v2 =	vld [tilespmem:s29+$0x10]  }
0x3a: {  	s21 =	sor.u32 s23, s30;
	v0 =	vld [tilespmem:s29+$0x20]  }
0x3b: {  	s31 =	sand.u32 $0x3F80, s18;
	v1 =	vld [tilespmem:s29+$0x30];
	[tilespmem:s21+$0x4040] =	vst v3  }
0x3c: {  	v4 =	vld [tilespmem:s31+$0x0];
	_ =	sdelay $0x3  }
0x3d: {  	[tilespmem:s21+$0x4050] =	vst v2  }
0x3e: {  	[tilespmem:s21+$0x4400] =	vst v4  }
0x3f: {  	v4 =	vld [tilespmem:s31+$0x10];
	_ =	sdelay $0x3  }
0x40: {  	[tilespmem:s21+$0x4060] =	vst v0  }
0x41: {  	[tilespmem:s21+$0x4410] =	vst v4  }
0x42: {  	v4 =	vld [tilespmem:s31+$0x20];
	_ =	sdelay $0x3  }
0x43: {  	[tilespmem:s21+$0x4070] =	vst v1  }
0x44: {  	[tilespmem:s21+$0x4420] =	vst v4  }
0x45: {  	v4 =	vld [tilespmem:s31+$0x30]  }
0x46: {  	s24 =	simm.s32 $0x100;
	s22 =	simm.s32 $0x80  }
0x47: {  	s24 =	sand.u32 $0x7800, s24;
	s25 =	sand.u32 $0x380, s22  }
0x48: {  	s23 =	smov.u32 s18;
	s25 =	sor.u32 s25, s24;
	s24 =	simm.s32 $0x200  }
.LBB2_5:
0x49: {  	p1 =	sne.s32 s24, $0x7F00;
	[tilespmem:s25+$0x4040] =	vst v3;
	s23 =	sadd.s32 $0x40, s23  }
0x4a: {  	s26 =	sand.u32 $0x3F80, s23;
	[tilespmem:s21+$0x4430] =	vst v4;
	s21 =	smov.u32 s25  }
0x4b: {  	v4 =	vld [tilespmem:s26+$0x0];
	_ =	sdelay $0x3  }
0x4c: {  	[tilespmem:s21+$0x4050] =	vst v2  }
0x4d: {  	[tilespmem:s21+$0x4400] =	vst v4  }
0x4e: {  	v4 =	vld [tilespmem:s26+$0x10];
	_ =	sdelay $0x3  }
0x4f: {  	[tilespmem:s21+$0x4060] =	vst v0  }
0x50: {  	[tilespmem:s21+$0x4410] =	vst v4  }
0x51: {  	v4 =	vld [tilespmem:s26+$0x20];
	_ =	sdelay $0x3  }
0x52: {  	[tilespmem:s21+$0x4070] =	vst v1  }
.Ltmp1:
0x53: {  	[tilespmem:s21+$0x4420] =	vst v4;
	(pc) =	sbr.rel @p1 .LBB2_5-.Ltmp1, $4  }
0x54: {  	v4 =	vld [tilespmem:s26+$0x30]  }
0x55: {  	s22 =	sadd.s32 $0x80, s22  }
0x56: {  	s25 =	sand.u32 $0x7800, s24;
	s26 =	sand.u32 $0x380, s22  }
0x57: {  	s24 =	sadd.s32 $0x100, s24;
	s25 =	sor.u32 s26, s25  }
0x58: {  	[tilespmem:s25+$0x4040] =	vst v3;
	s22 =	sadd.s32 $0x40, s23  }
0x59: {  	s22 =	sand.u32 $0x3F80, s22;
	[tilespmem:s21+$0x4430] =	vst v4  }
0x5a: {  	v3 =	vld [tilespmem:s22+$0x0];
	_ =	sdelay $0x3  }
0x5b: {  	[tilespmem:s25+$0x4050] =	vst v2  }
0x5c: {  	[tilespmem:s25+$0x4400] =	vst v3  }
0x5d: {  	v2 =	vld [tilespmem:s22+$0x10];
	_ =	sdelay $0x3  }
0x5e: {  	[tilespmem:s25+$0x4060] =	vst v0  }
0x5f: {  	[tilespmem:s25+$0x4410] =	vst v2  }
0x60: {  	v0 =	vld [tilespmem:s22+$0x20];
	_ =	sdelay $0x3  }
0x61: {  	[tilespmem:s25+$0x4070] =	vst v1  }
0x62: {  	[tilespmem:s25+$0x4420] =	vst v0  }
0x63: {  	v0 =	vld [tilespmem:s22+$0x30];
	_ =	sdelay $0x1  }
0x64: {  	s24 =	sshll.u32 s20, $0xF  }
0x65: {  	s21 =	sadd.s32 s7, s24  }
0x66: {  	s21 =	sshrl.u32 s21, $0x3  }
0x67: {  	s21 =	sadd.s32 s3, s21;
	[tilespmem:s25+$0x4430] =	vst v0  }
0x68: {  	[hbm4b:s21+s2] =	stream.linear.scatter [tilespmem:s12], [sflag:$0x1], $0x8000, $0x38;
	[tilespmem:$0x14000] =	vst v63  }
0x69: {  	s21 =	simm.s32 @!p0 $0x2  }
0x6a: {  	s20 =	sor.u32 $0x1, s20;
	_ =	swait.ge @!p0 [sflag:s21], $0x8000  }
0x6b: {  	s25 =	sshll.u32 s20, $0x7;
	[sflag:s21] =	ssyncset.done @!p0 $0x0  }
0x6c: {  	s26 =	sand.u32 $0x3FFFFF80, s25;
	[sflag:s21] =	ssyncadd.s32 @!p0 $0xFFFF8000  }
0x6d: {  	v3 =	vld [tilespmem:s26+$0x0];
	_ =	sdelay $0x1  }
0x6e: {  	s28 =	simm.s32 $0x0  }
0x6f: {  	s29 =	sand.u32 $0x7800, s28;
	s22 =	sand.u32 $0x380, s28;
	v2 =	vld [tilespmem:s26+$0x10]  }
0x70: {  	s21 =	sor.u32 s22, s29;
	v0 =	vld [tilespmem:s26+$0x20]  }
0x71: {  	s30 =	sand.u32 $0x7FFFFF80, s17;
	v1 =	vld [tilespmem:s26+$0x30];
	[tilespmem:s21+$0xC040] =	vst v3  }
0x72: {  	v4 =	vld [tilespmem:s30+$0x0];
	_ =	sdelay $0x3  }
0x73: {  	[tilespmem:s21+$0xC050] =	vst v2  }
0x74: {  	[tilespmem:s21+$0xC400] =	vst v4  }
0x75: {  	v4 =	vld [tilespmem:s30+$0x10];
	_ =	sdelay $0x3  }
0x76: {  	[tilespmem:s21+$0xC060] =	vst v0  }
0x77: {  	[tilespmem:s21+$0xC410] =	vst v4  }
0x78: {  	v4 =	vld [tilespmem:s30+$0x20];
	_ =	sdelay $0x3  }
0x79: {  	[tilespmem:s21+$0xC070] =	vst v1  }
0x7a: {  	[tilespmem:s21+$0xC420] =	vst v4  }
0x7b: {  	v4 =	vld [tilespmem:s30+$0x30]  }
0x7c: {  	s24 =	simm.s32 $0x100;
	s22 =	simm.s32 $0x80  }
0x7d: {  	s24 =	sand.u32 $0x7800, s24;
	s31 =	sand.u32 $0x380, s22  }
0x7e: {  	s23 =	smov.u32 s17;
	s25 =	sor.u32 s31, s24;
	s24 =	simm.s32 $0x200  }
.LBB2_7:
0x7f: {  	p0 =	sne.s32 s24, $0x7F00;
	[tilespmem:s25+$0xC040] =	vst v3;
	s23 =	sadd.s32 $0x40, s23  }
0x80: {  	s26 =	sand.u32 $0x7FFFFF80, s23;
	[tilespmem:s21+$0xC430] =	vst v4;
	s21 =	smov.u32 s25  }
0x81: {  	v4 =	vld [tilespmem:s26+$0x0];
	_ =	sdelay $0x3  }
0x82: {  	[tilespmem:s21+$0xC050] =	vst v2  }
0x83: {  	[tilespmem:s21+$0xC400] =	vst v4  }
0x84: {  	v4 =	vld [tilespmem:s26+$0x10];
	_ =	sdelay $0x3  }
0x85: {  	[tilespmem:s21+$0xC060] =	vst v0  }
0x86: {  	[tilespmem:s21+$0xC410] =	vst v4  }
0x87: {  	v4 =	vld [tilespmem:s26+$0x20];
	_ =	sdelay $0x3  }
0x88: {  	[tilespmem:s21+$0xC070] =	vst v1  }
.Ltmp2:
0x89: {  	[tilespmem:s21+$0xC420] =	vst v4;
	(pc) =	sbr.rel @p0 .LBB2_7-.Ltmp2, $4  }
0x8a: {  	v4 =	vld [tilespmem:s26+$0x30]  }
0x8b: {  	s22 =	sadd.s32 $0x80, s22  }
0x8c: {  	s25 =	sand.u32 $0x7800, s24;
	s26 =	sand.u32 $0x380, s22  }
0x8d: {  	s24 =	sadd.s32 $0x100, s24;
	s25 =	sor.u32 s26, s25  }
0x8e: {  	[tilespmem:s25+$0xC040] =	vst v3;
	s22 =	sadd.s32 $0x40, s23  }
0x8f: {  	s22 =	sand.u32 $0x7FFFFF80, s22;
	[tilespmem:s21+$0xC430] =	vst v4  }
0x90: {  	v3 =	vld [tilespmem:s22+$0x0];
	_ =	sdelay $0x3  }
0x91: {  	[tilespmem:s25+$0xC050] =	vst v2  }
0x92: {  	[tilespmem:s25+$0xC400] =	vst v3  }
0x93: {  	v2 =	vld [tilespmem:s22+$0x10];
	_ =	sdelay $0x3  }
0x94: {  	[tilespmem:s25+$0xC060] =	vst v0  }
0x95: {  	[tilespmem:s25+$0xC410] =	vst v2  }
0x96: {  	v0 =	vld [tilespmem:s22+$0x20];
	_ =	sdelay $0x3  }
0x97: {  	[tilespmem:s25+$0xC070] =	vst v1  }
0x98: {  	[tilespmem:s25+$0xC420] =	vst v0  }
0x99: {  	s19 =	sadd.s32 $0x1, s19;
	v0 =	vld [tilespmem:s22+$0x30]  }
0x9a: {  	p0 =	sne.s32 s19, $0x20  }
.Ltmp3:
0x9b: {  	s20 =	sshll.u32 s20, $0xF;
	(pc) =	sbr.rel @p0 .LBB2_4-.Ltmp3, $4  }
0x9c: {  	s20 =	sadd.s32 s7, s20  }
0x9d: {  	s20 =	sshrl.u32 s20, $0x3  }
0x9e: {  	s18 =	sadd.s32 $0x80, s18;
	s17 =	sadd.s32 $0x80, s17;
	s20 =	sadd.s32 s3, s20;
	[tilespmem:s25+$0xC430] =	vst v0  }
0x9f: {  	[hbm4b:s20+s2] =	stream.linear.scatter [tilespmem:s13], [sflag:$0x2], $0x8000, $0x38;
	[tilespmem:$0x14000] =	vst v63  }
0xa0: {  	s15 =	sadd.s32 $0x1, s15  }
0xa1: {  	_ =	swait.ge [sflag:s4], $0x8000;
	p0 =	sne.s32 s15, s8  }
.Ltmp4:
0xa2: {  	[sflag:s4] =	ssyncset.done $0x0;
	(pc) =	sbr.rel @p0 .LBB2_1-.Ltmp4, $4  }
0xa3: {  	[sflag:s4] =	ssyncadd.s32 $0xFFFF8000  }
0xa4: {  	_ =	swait.ge [sflag:s14], $0x8000  }
0xa5: {  	[sflag:s14] =	ssyncset.done $0x0  }
0xa6: {  	[sflag:s14] =	ssyncadd.s32 $0xFFFF8000  }
0xa7: {  	_ =	sfence.sel $0x180000  }
0xa8: {  	[bflag:$0x0] =	sbarrier.arrive $0xFFFF  }
0xa9: {  	p0 =	sne.s32 s0, $0x0;
	_ =	strace $0x90000047  }
0xaa: {  	s0 =	sadd.s32 @!p0 $0x100000, s1;
	[bflag:$0x2] =	sbarrier.arrive $0xFFFF  }
0xab: {  	[sflag:s0] =	ssyncadd.tile.s32 @!p0 $0x1;
	_ =	shalt  }
.Lfunc_end2:
_tile_overlayer_lowered:
.L_overlay_start_2:
0xac: {  	(tag) =	ssettag $0x2  }
0xad: {  	s0 =	rddreg [dreg:$0x0];
	s2 =	stileid.u32  }
0xae: {  	s1 =	rddreg [dreg:$0x1];
	p0 =	sne.s32 s2, $0x0  }
0xaf: {  	s3 =	rddreg [dreg:$0x2];
	[bflag:$0x3] =	sbarrier.arrive $0xFFFF;
	s2 =	simm.s32 @!p0 $0x1C03  }
0xb0: {  	[timem:s3], [sflag:s2] =	dma.local @!p0 [hbm:s0], s1  }
0xb1: {  	s0 =	simm.s32 @!p0 $0x3  }
0xb2: {  	_ =	swait.ge @!p0 [sflag:s0], s1  }
0xb3: {  	s1 =	ssub.s32 @!p0 $0x0, s1;
	[sflag:s0] =	ssyncset.done @!p0 $0x0  }
0xb4: {  	[sflag:s0] =	ssyncadd.s32 @!p0 s1  }
0xb5: {  	[bflag:$0x3] =	sbarrier.arrive $0xFFFF  }
0xb6: {  	_ =	shalt  }

// kernel: sparse-core-data-format-call.cloned.1.call-start
scs
called_computation_lowered:
.L_overlay_start_0:
0x0: {  	s2 =	sld [smem:$0x3FD9]  }
0x1: {  	s3 =	sld [smem:$0x3FFE];
	_ =	sdelay $0x1  }
0x2: {  	s1 =	srdreg.scid  }
0x3: {  	s0 =	sand.u32 $0x1, s1  }
0x4: {  	s18 =	sshll.u32 s0, $0xA;
	s2 =	sadd.s32 s3, s2  }
0x5: {  	s2 =	sadd.s32 s2, s18  }
0x6: {  	[smem:$0x3FC7] =	sst s2  }
0x7: {  	_ = 	snop  }
0x8: {  	s2 =	sld [smem:$0x3FD0];
	(tm) =	ssettm $0x1  }
0x9: {  	s19 =	sld [smem:$0x3FFB];
	_ =	sdelay $0x3  }
0xa: {  	_ =	strace s19  }
0xb: {  	s3 =	sld [smem:$0x3FFC];
	_ =	sdelay $0x3  }
0xc: {  	_ =	strace s3  }
0xd: {  	s3 =	sld [smem:$0x3FFD];
	_ =	sdelay $0x3  }
0xe: {  	_ =	strace s3  }
0xf: {  	_ =	strace $0x8FFFFFFF  }
0x10: {  	s20 =	sld [smem:$0x3FDB];
	_ =	sdelay $0x1  }
0x11: {  	s4 =	simm.s32 $_scs_section_size  }
0x12: {  	s5 =	simm.s32 $_size__tile_overlayer_lowered;
	s6 =	simm.s32 $_tile_overlayer_lowered  }
0x13: {  	s23 =	simm.s32 $0x1BFF;
	s22 =	sshll.u32 s6, $0x1;
	s3 =	sadd.s32 s4, s20  }
0x14: {  	s7 =	simm.s32 $0x0;
	s21 =	sshll.u32 s5, $0x1;
	s5 =	sadd.s32 s22, s3  }
0x15: {  	[timem:s7], [sflag:s23] =	dma.local [hbm:s5], s21  }
0x16: {  	_ =	swait.ge [sflag:s23], s21  }
0x17: {  	s4 =	ssub.s32 $0x0, s21;
	[sflag:s23] =	ssyncset.done $0x0  }
0x18: {  	[sflag:s23] =	ssyncadd.s32 s4;
	_ =	sdelay $0x1  }
0x19: {  	s24 =	simm.s32 $0x1B8B  }
0x1a: {  	_ =	swait.ge [sflag:s24], $0x1  }
0x1b: {  	[sflag:s24] =	ssyncset.done $0x0  }
0x1c: {  	s26 =	simm.s32 $0x1B8E;
	s25 =	sld [smem:$0x3FFE];
	[sflag:s24] =	ssyncadd.s32 $0xFFFFFFFF  }
0x1d: {  	s27 =	simm.s32 $execute0_lowered;
	[smem:$0x3FD2] =	sst s26  }
0x1e: {  	s5 =	sshll.u32 s27, $0x1;
	_ =	strace $0x80000049;
	[dreg:$0x1] =	wrdreg $0xFFFFFFFF  }
0x1f: {  	s28 =	simm.s32 $_size_execute0_lowered;
	s3 =	sadd.s32 s3, s5;
	[dreg:$0x0] =	wrdreg $0x0  }
0x20: {  	s5 =	sshll.u32 s28, $0x1;
	[dreg:$0x2] =	wrdreg s3  }
0x21: {  	[dreg:$0x3] =	wrdreg s5  }
0x22: {  	[dreg:$0x4] =	wrdreg $0xC0  }
0x23: {  	_ =	task [dreg:s7], $0x5FFFF  }
0x24: {  	[dreg:$0x1] =	wrdreg $0xFFFFFFFF  }
0x25: {  	[dreg:$0x0] =	wrdreg $0x60  }
0x26: {  	[dreg:$0x2] =	wrdreg s25  }
0x27: {  	[dreg:$0x3] =	wrdreg s2  }
0x28: {  	[dreg:$0x4] =	wrdreg $0x9  }
0x29: {  	_ =	task.clear_ibuf [dreg:s7], $0x5FFFF;
	_ =	strace $0x90000049  }
0x2a: {  	s29 =	simm.s32 $0x9;
	_ =	strace $0x8000004B  }
0x2b: {  	_ =	swait.ge [sflag:s29], $0x1  }
0x2c: {  	[sflag:s29] =	ssyncadd.s32 $0xFFFFFFFF  }
0x2d: {  	_ =	strace $0x9000004B  }
0x2e: {  	_ =	sfence  }
0x2f: {  	s30 =	sld [smem:$0x0];
	_ =	sdelay $0x2  }
0x30: {  	s31 =	sshll.u32 s1, $0xD;
	s1 =	sshrl.u32 s1, $0x2  }
0x31: {  	s3 =	sand.u32 $0x4000, s31;
	s1 =	sadd.s32 s1, s30  }
0x32: {  	s0 =	sor.u32 s3, s0;
	s1 =	sshll.u32 s1, $0x11  }
0x33: {  	s0 =	sor.u32 s1, s0  }
0x34: {  	s0 =	sadd.s32 $0x8F2B, s0  }
0x35: {  	[sflag:s0] =	ssyncadd.remote.s32 $0x1  }
0x36: {  	_ =	sfence.sel $0xFFFF  }
0x37: {  	[dreg:$0x0] =	wrdreg $0xFFFFFFFF;
	(pc) =	sbr.abs _section_cstart, $3  }
0x38: {  	[dreg:$0x1] =	wrdreg $0xFFFFFFFF  }
0x39: {  	_ =	task.clear_ibuf [dreg:s7], $0x2FFFF;
	_ =	strace $0x9FFFFFFF  }
0x3a: {  	(tm) =	ssettm $0x7FFFFFFF  }
0x3b: {  	_ =	shalt  }
tec
execute0_lowered:
.L_overlay_start_1:
0x0: {  	(tag) =	ssettag $0x1  }
0x1: {  	s2 =	rddreg [dreg:$0x0]  }
0x2: {  	s1 =	rddreg [dreg:$0x1]  }
0x3: {  	s0 =	rddreg [dreg:$0x2];
	s3 =	srdreg.scid;
	_ =	strace $0x8000004A  }
0x4: {  	s5 =	simm.s32 $0x1;
	s7 =	simm.s32 $0x2;
	s18 =	simm.s32 $0x0  }
0x5: {  	p0 =	por $0x0, $0x0;
	s17 =	simm.s32 $0x0;
	s19 =	simm.s32 $0x0  }
0x6: {  	s20 =	simm.s32 $0x0;
	s9 =	simm.s32 $0x0;
	s10 =	simm.s32 $0x0  }
0x7: {  	s11 =	simm.s32 $0x0;
	s12 =	simm.s32 $0x0;
	s13 =	simm.s32 $0x0  }
.Ltmp0:
0x8: {  	s15 =	stileid.u32;
	s3 =	sand.u32 $0x1, s3;
	(pc) =	sbr.rel .LBB1_1-.Ltmp0, $4  }
0x9: {  	s16 =	simm.s32 $0x0;
	s4 =	sadd.s32 $0x800, s2;
	s6 =	ssub.s32 $0x80, s3  }
0xa: {  	[sflag:s5] =	ssyncpa.u1 $0x0;
	s2 =	stileid.u32;
	s8 =	sshrl.u32 s6, $0x1  }
0xb: {  	[sflag:s7] =	ssyncpa.u1 $0x0;
	s14 =	smov.u32 s3;
	s31 =	ssub.s32 s6, s8  }
0xc: {  	s8 =	simm.s32 $0x0;
	s6 =	sshll.u32 s31, $0x1;
	s7 =	sshllo.u32 s31, $0x1  }
.LBB1_4:
0xd: {  	s26 =	sshll.u32 s8, $0x7;
	s27 =	sshll.u32 s9, $0x3  }
0xe: {  	p1 =	sgt.s32 s11, $0xF;
	s29 =	sshra.s32 s11, $0x1F;
	s30 =	sshra.s32 s10, $0x1F  }
0xf: {  	s25 =	sshra.s32 s25, $0x2;
	s28 =	sand.u32 $0xFFFFFC00, s26;
	s27 =	sand.u32 $0xFFFFFC00, s27  }
0x10: {  	s26 =	sand.u32 $0x380, s26;
	s27 =	sadd.s32 s27, s28;
	s28 =	smov.u32 s11  }
0x11: {  	s30 =	sand.u32 s30, s10;
	s26 =	sor.u32 s26, s27;
	s28 =	simm.s32 @!p1 $0xF  }
0x12: {  	s27 =	sand.u32 s29, s11;
	p1 =	sgt.s32 s10, $0x7F;
	s29 =	smov.u32 s10  }
0x13: {  	s24 =	sadd.s32 s25, s24;
	s27 =	ssub.s32 s28, s27;
	s29 =	simm.s32 @!p1 $0x7F  }
0x14: {  	s25 =	sshrl.u32 s26, $0x7;
	s28 =	ssub.s32 s29, s30;
	s31 =	sadd.s32 $0xFFFFFFF1, s27  }
0x15: {  	s27 =	ssub.s32 $0x10, s27;
	p1 =	sgt.s32 s31, $0x0;
	s30 =	sadd.s32 $0xFFFFFF81, s28  }
0x16: {  	s28 =	ssub.s32 $0x80, s28;
	s27 =	simm.s32 @p1 $0x0;
	p1 =	sgt.s32 s30, $0x0  }
0x17: {  	v5 =	vld [tilespmem:s22+$0xFFFFFFD0];
	[tilespmem:s23+$0x2040 ss:$0x81] =	vst.msk $0xffff, v4;
	s30 =	smulhi.u32 $0x1555556, s25;
	s28 =	simm.s32 @p1 $0x0  }
0x18: {  	v58 =	vld [tilespmem:s22+$0xFFFFFFE0];
	[tilespmem:s23+$0x2850 ss:$0x81] =	vst.msk $0xffff, v3;
	s31 =	ssub.s32 $0x0, s9;
	s26 =	smul.u32 s27, s28  }
0x19: {  	v59 =	vld [tilespmem:s22+$0xFFFFFFF0];
	[tilespmem:s23+$0x3060 ss:$0x81] =	vst.msk $0xffff, v2;
	p1 =	sgt.s32 s8, $0x40;
	s27 =	smov.u32 s8;
	s29 =	smul.u32 $0xC0, s30  }
0x1a: {  	v60 =	vld [tilespmem:s22+$0x0];
	[tilespmem:s23+$0x0 ss:$0x81] =	vst.msk $0xffff, v0;
	s28 =	smin.u32 s9, s31;
	s31 =	sshra.s32 s8, $0x1F;
	s30 =	smul.u32 $0x60000, s11  }
0x1b: {  	v61 =	vld [tilespmem:s22+$0x10];
	[tilespmem:s24+$0x3870 ss:$0x81] =	vst.msk $0xffff, v1;
	s27 =	simm.s32 @!p1 $0x40;
	p1 =	sgt.s32 s28, $0x7F;
	s23 =	sand.u32 s31, s8  }
0x1c: {  	v62 =	vld [tilespmem:s22+$0x20];
	[tilespmem:s24+$0x810 ss:$0x81] =	vst.msk $0xffff, v5;
	s28 =	ssub.s32 $0x80, s28;
	s31 =	smul.u32 $0xC00, s10;
	s23 =	ssub.s32 s27, s23  }
0x1d: {  	v63 =	vld [tilespmem:s22+$0xFFFFFFC0];
	[tilespmem:s24+$0x1020 ss:$0x81] =	vst.msk $0xffff, v58;
	s28 =	simm.s32 @p1 $0x0;
	s22 =	ssub.s32 s25, s29;
	s29 =	sadd.s32 $0xFFFFFFC0, s23  }
0x1e: {  	[tilespmem:s24+$0x1830 ss:$0x81] =	vst.msk $0xffff, v59;
	s26 =	smul.u32 s28, s26;
	s23 =	ssub.s32 $0xC0, s23;
	p1 =	sgt.s32 s29, $0x7F  }
0x1f: {  	[tilespmem:s24+$0x2040 ss:$0x81] =	vst.msk $0xffff, v60;
	s27 =	sadd.s32 s1, s30;
	s29 =	sshrl.u32 s9, $0x3;
	s23 =	simm.s32 @p1 $0x0  }
0x20: {  	[tilespmem:s24+$0x2850 ss:$0x81] =	vst.msk $0xffff, v61;
	s25 =	sadd.s32 s31, s27;
	s30 =	sand.u32 $0xF, s29;
	s23 =	smul.u32 s23, s26  }
0x21: {  	[tilespmem:s24+$0x3060 ss:$0x81] =	vst.msk $0xffff, v62;
	s22 =	sshll.u32 s22, $0x4;
	s25 =	sadd.s32 s30, s25  }
0x22: {  	[tilespmem:s24+$0x0 ss:$0x81] =	vst.msk $0xffff, v63;
	s31 =	sand.u32 $0x7, s9;
	s22 =	sadd.s32 s22, s25;
	s23 =	sand.u32 $0x3FFFFFFF, s23  }
0x23: {  	[hbm4b:s22+s31] =	stream.linear.scatter [tilespmem:s21], [sflag:$0x2], s23, $0x20;
	[tilespmem:$0x10100] =	vst v63  }
.LBB1_5:
0x24: {  	p1 =	slt.u32 s16, $0x2;
	s21 =	smov.u32 s20  }
0x25: {  	s23 =	smov.u32 s14;
	s24 =	smov.u32 s15;
	p0 =	por !p0, !p0  }
0x26: {  	p2 =	sgt.s32 @!p1 s20, $0xF;
	s22 =	sshra.s32 @!p1 s20, $0x1F;
	p3 =	sgt.s32 @!p1 s18, $0x40  }
0x27: {  	p2 =	por !p2, p1;
	s20 =	sand.u32 @!p1 s22, s20;
	s22 =	sshra.s32 @!p1 s19, $0x1F  }
0x28: {  	p3 =	por !p3, p1;
	s21 =	simm.s32 @p2 $0xF;
	p2 =	sgt.s32 @!p1 s19, $0x7F  }
0x29: {  	s20 =	ssub.s32 @!p1 s21, s20;
	p2 =	por !p2, p1;
	s21 =	smov.u32 s19  }
0x2a: {  	s19 =	sand.u32 @!p1 s22, s19;
	s22 =	sadd.s32 @!p1 $0xFFFFFFF1, s20;
	s21 =	simm.s32 @p2 $0x7F  }
0x2b: {  	s20 =	ssub.s32 @!p1 $0x10, s20;
	p2 =	sgt.s32 @!p1 s22, $0x0;
	s19 =	ssub.s32 @!p1 s21, s19  }
0x2c: {  	s22 =	sshra.s32 @!p1 s18, $0x1F;
	p2 =	por !p2, p1;
	s21 =	sadd.s32 @!p1 $0xFFFFFF81, s19  }
0x2d: {  	s19 =	ssub.s32 @!p1 $0x80, s19;
	s20 =	simm.s32 @!p2 $0x0;
	p2 =	sgt.s32 @!p1 s21, $0x0  }
0x2e: {  	s21 =	smov.u32 s18;
	s18 =	sand.u32 @!p1 s22, s18;
	p2 =	por !p2, p1  }
0x2f: {  	s22 =	smov.u32 s13;
	s21 =	simm.s32 @p3 $0x40;
	s19 =	simm.s32 @!p2 $0x0  }
0x30: {  	s18 =	ssub.s32 @!p1 s21, s18;
	s21 =	ssub.s32 @!p1 $0x0, s17;
	s19 =	smul.u32 @!p1 s20, s19  }
0x31: {  	s20 =	sadd.s32 @!p1 $0xFFFFFFC0, s18;
	s17 =	smin.u32 @!p1 s17, s21;
	s18 =	ssub.s32 @!p1 $0xC0, s18  }
0x32: {  	s21 =	sadd.s32 $0x80, s12;
	p2 =	sgt.s32 @!p1 s20, $0x7F;
	p3 =	sgt.s32 @!p1 s17, $0x7F  }
0x33: {  	s17 =	ssub.s32 @!p1 $0x80, s17;
	s20 =	sadd.s32 $0x80, s13;
	p3 =	por !p3, p1  }
0x34: {  	p2 =	por !p2, p1;
	s17 =	simm.s32 @!p3 $0x0;
	p3 =	sgt.s32 s21, $0xBF  }
0x35: {  	s25 =	simm.s32 @!p1 $0x2;
	s18 =	simm.s32 @!p2 $0x0;
	s22 =	smov.u32 @p3 s20  }
0x36: {  	s17 =	smul.u32 @!p1 s17, s19;
	s19 =	sadd.s32 $0x2, s14;
	p2 =	sgt.s32 s22, $0x7F  }
0x37: {  	s21 =	simm.s32 @p3 $0x0;
	s20 =	smov.u32 s11;
	s23 =	smov.u32 @p2 s19  }
0x38: {  	s17 =	smul.u32 @!p1 s18, s17;
	s18 =	sadd.s32 $0x10, s15;
	p3 =	sgt.s32 s23, $0x7F  }
0x39: {  	s11 =	smov.u32 s15;
	s22 =	simm.s32 @p2 $0x0;
	s24 =	smov.u32 @p3 s18  }
0x3a: {  	s19 =	smov.u32 s10;
	s10 =	smov.u32 s14;
	p2 =	sgt.s32 s24, $0xF  }
0x3b: {  	s17 =	sand.u32 @!p1 $0x3FFFFFFF, s17;
	s24 =	smov.u32 @p2 s2;
	p2 =	sne.s32 s16, s7  }
.Ltmp1:
0x3c: {  	s23 =	smov.u32 @p3 s3;
	s18 =	smov.u32 s8;
	(pc) =	sbr.rel @!p2 .LBB1_6-.Ltmp1, $4  }
0x3d: {  	s8 =	smov.u32 s12;
	s12 =	smov.u32 s21;
	_ =	swait.ge @!p1 [sflag:s25], s17  }
0x3e: {  	s26 =	ssub.s32 @!p1 $0x0, s17;
	s17 =	smov.u32 s9;
	s9 =	smov.u32 s13  }
0x3f: {  	s13 =	smov.u32 s22;
	s14 =	smov.u32 s23;
	[sflag:s25] =	ssyncset.done @!p1 $0x0  }
0x40: {  	s16 =	sadd.s32 $0x1, s16;
	[sflag:s25] =	ssyncadd.s32 @!p1 s26;
	s15 =	smov.u32 s24  }
.LBB1_1:
0x41: {  	p1 =	sge.u32 s16, s6;
	s31 =	sadd.s32 $0xFFFFFFFF, s16  }
0x42: {  	s21 =	sxor.u32 @!p1 $0xFFFFFFFF, s16;
	s22 =	sand.u32 @!p1 $0x78, s12;
	s23 =	sshll.u32 @!p1 s13, $0x8  }
0x43: {  	s24 =	sshll.u32 @!p1 s12, $0x3;
	s25 =	sshll.u32 @!p1 s13, $0x7;
	s21 =	sshll.u32 @!p1 s21, $0xE  }
0x44: {  	s23 =	sand.u32 @!p1 $0x7800, s23;
	s24 =	sand.u32 @!p1 $0x7C00, s24;
	s21 =	sand.u32 @!p1 $0x4000, s21  }
0x45: {  	s23 =	sadd.s32 @!p1 s23, s24;
	s24 =	sand.u32 @!p1 $0x300, s25;
	s25 =	sand.u32 @!p1 $0x80, s25  }
0x46: {  	s23 =	sor.u32 @!p1 s24, s23;
	s22 =	sor.u32 @!p1 s22, s25;
	s24 =	sshll.u32 @!p1 s15, $0x13  }
0x47: {  	s25 =	sshll.u32 @!p1 s14, $0xC;
	s23 =	sshrl.u32 @!p1 s23, $0x3;
	s24 =	sadd.s32 @!p1 s4, s24  }
0x48: {  	s22 =	sshrl.u32 @!p1 s22, $0x3;
	s24 =	sadd.s32 @!p1 s25, s24;
	s25 =	sand.u32 @!p1 $0x7, s12  }
0x49: {  	s23 =	sand.u32 @!p1 $0xFE0, s23;
	s22 =	sadd.s32 @!p1 s22, s24;
	s24 =	sshll.u32 @!p1 s25, $0x12  }
0x4a: {  	s22 =	sadd.s32 @!p1 s23, s22;
	s23 =	sor.u32 @!p1 $0x400, s24;
	s24 =	simm.s32 @!p1 $0x800  }
0x4b: {  	[tilespmem:s21], [sflag:$0x1] =	stream.strided.gather @!p1 [hbm4b:s22+s23], $0x4000, s24, s23, $0x38;
	[tilespmem:$0x10100] =	vst v63  }
0x4c: {  	p1 =	sge.u32 s31, s6  }
.Ltmp2:
0x4d: {  	_ = 	snop;
	(pc) =	sbr.rel @p1 .LBB1_5-.Ltmp2, $1  }
0x4e: {  	_ =	sdelay $0x3  }
0x4f: {  	s21 =	simm.s32 $0x1  }
0x50: {  	_ =	swait.ge [sflag:s5], $0x4000;
	s21 =	simm.s32 @!p0 $0x0  }
0x51: {  	[sflag:s5] =	ssyncset.done $0x0;
	s22 =	sshll.u32 s21, $0xE  }
0x52: {  	[sflag:s5] =	ssyncadd.s32 $0xFFFFC000;
	s22 =	sor.u32 $0x40, s22  }
0x53: {  	s21 =	smul.u32 $0x10200, s21;
	v0 =	vld [tilespmem:s22+$0x30]  }
0x54: {  	v1 =	vld [tilespmem:s22+$0xFFFFFFD0]  }
0x55: {  	s21 =	sshrl.u32 s21, $0x2;
	v5 =	vld [tilespmem:s22+$0xFFFFFFE0]  }
0x56: {  	v6 =	vld [tilespmem:s22+$0xFFFFFFF0];
	s24 =	sor.u32 $0x8000, s21  }
0x57: {  	s31 =	sand.u32 $0x1, s16;
	v4 =	vld [tilespmem:s22+$0x0];
	s23 =	sadd.s32 $0x0, s24  }
0x58: {  	v3 =	vld [tilespmem:s22+$0x10];
	s21 =	smul.u32 $0x10200, s31;
	[tilespmem:s23+$0x3870 ss:$0x81] =	vst.msk $0xffff, v0  }
0x59: {  	v2 =	vld [tilespmem:s22+$0x20];
	[tilespmem:s23+$0x810 ss:$0x81] =	vst.msk $0xffff, v1  }
0x5a: {  	s21 =	sshrl.u32 s21, $0x2;
	v0 =	vld [tilespmem:s22+$0xFFFFFFC0];
	[tilespmem:s23+$0x1020 ss:$0x81] =	vst.msk $0xffff, v5;
	s22 =	sadd.s32 $0x80, s22  }
0x5b: {  	s25 =	simm.s32 $0x4;
	s26 =	simm.s32 $0x8;
	s21 =	sor.u32 $0x8000, s21;
	[tilespmem:s23+$0x1830 ss:$0x81] =	vst.msk $0xffff, v6;
	v1 =	vld [tilespmem:s22+$0x30]  }
.LBB1_3:
0x5c: {  	p1 =	sne.s32 s26, $0x1FC;
	v5 =	vld [tilespmem:s22+$0xFFFFFFD0];
	[tilespmem:s23+$0x2040 ss:$0x81] =	vst.msk $0xffff, v4  }
0x5d: {  	v6 =	vld [tilespmem:s22+$0xFFFFFFE0];
	[tilespmem:s23+$0x2850 ss:$0x81] =	vst.msk $0xffff, v3  }
0x5e: {  	s27 =	sshra.s32 s25, $0x2;
	s25 =	smov.u32 s26;
	v7 =	vld [tilespmem:s22+$0xFFFFFFF0];
	[tilespmem:s23+$0x3060 ss:$0x81] =	vst.msk $0xffff, v2  }
.Ltmp3:
0x5f: {  	v4 =	vld [tilespmem:s22+$0x0];
	[tilespmem:s23+$0x0 ss:$0x81] =	vst.msk $0xffff, v0;
	s23 =	sadd.s32 s27, s24;
	(pc) =	sbr.rel @p1 .LBB1_3-.Ltmp3, $4  }
0x60: {  	v3 =	vld [tilespmem:s22+$0x10];
	[tilespmem:s23+$0x3870 ss:$0x81] =	vst.msk $0xffff, v1  }
0x61: {  	[tilespmem:s23+$0x810 ss:$0x81] =	vst.msk $0xffff, v5;
	v2 =	vld [tilespmem:s22+$0x20]  }
0x62: {  	v0 =	vld [tilespmem:s22+$0xFFFFFFC0];
	[tilespmem:s23+$0x1020 ss:$0x81] =	vst.msk $0xffff, v6;
	s22 =	sadd.s32 $0x80, s22  }
0x63: {  	s26 =	sadd.s32 $0x4, s26;
	v1 =	vld [tilespmem:s22+$0x30];
	[tilespmem:s23+$0x1830 ss:$0x81] =	vst.msk $0xffff, v7  }
.Ltmp4:
0x64: {  	_ = 	snop;
	(pc) =	sbr.rel .LBB1_4-.Ltmp4, $1  }
0x65: {  	_ =	sdelay $0x3  }
.LBB1_6:
0x66: {  	_ =	sfence.sel $0x180000  }
0x67: {  	s1 =	simm.s32 $0x1;
	[bflag:$0x0] =	sbarrier.arrive $0xFFFF  }
0x68: {  	s31 =	simm.s32 $0x2;
	[sflag:s1] =	ssyncpa.u1 $0x1  }
0x69: {  	[sflag:s31] =	ssyncpa.u1 $0x1  }
0x6a: {  	p0 =	sne.s32 s2, $0x0;
	_ =	strace $0x9000004A  }
0x6b: {  	s0 =	sadd.s32 @!p0 $0x100000, s0;
	[bflag:$0x2] =	sbarrier.arrive $0xFFFF  }
0x6c: {  	[sflag:s0] =	ssyncadd.tile.s32 @!p0 $0x1;
	_ =	shalt  }
.Lfunc_end1:
_tile_overlayer_lowered:
.L_overlay_start_2:
0x6d: {  	(tag) =	ssettag $0x2  }
0x6e: {  	s0 =	rddreg [dreg:$0x0];
	s2 =	stileid.u32  }
0x6f: {  	s1 =	rddreg [dreg:$0x1];
	p0 =	sne.s32 s2, $0x0  }
0x70: {  	s3 =	rddreg [dreg:$0x2];
	[bflag:$0x3] =	sbarrier.arrive $0xFFFF;
	s2 =	simm.s32 @!p0 $0x1C01  }
0x71: {  	[timem:s3], [sflag:s2] =	dma.local @!p0 [hbm:s0], s1  }
0x72: {  	s0 =	simm.s32 @!p0 $0x1  }
0x73: {  	_ =	swait.ge @!p0 [sflag:s0], s1  }
0x74: {  	s1 =	ssub.s32 @!p0 $0x0, s1;
	[sflag:s0] =	ssyncset.done @!p0 $0x0  }
0x75: {  	[sflag:s0] =	ssyncadd.s32 @!p0 s1  }
0x76: {  	[bflag:$0x3] =	sbarrier.arrive $0xFFFF  }
0x77: {  	_ =	shalt  }

</sc_bundles>
